<compile_context>
chip_gen: v7x
topology: tpu7x:2x2x1
jax: 0.10.2.dev20260603
libtpu: 0.0.44.dev20260713+nightly
codegen_flags: <defaults>
</compile_context>

<pallas_src>
import functools

import jax
import jax.numpy as jnp
from jax import lax
from jax.experimental import pallas as pl
from jax.experimental.pallas import tpu as pltpu, tpu_sc as plsc

N = 4096
E = 65536
M = 2
D = 128
F = M * D
BLK = 256
NBLK = N // BLK
NW = 32
CPT = F // NW
EPW = E // NW
CH = 8192
GU = 4

_mesh = plsc.VectorSubcoreMesh(core_axis_name="c", subcore_axis_name="s")
_sc_params = pltpu.CompilerParams(needs_layout_passes=False)



@functools.partial(
    pl.kernel,
    out_type=jax.ShapeDtypeStruct((NW, N), jnp.float32),
    mesh=_mesh,
    compiler_params=_sc_params,
    scratch_types=[
        pltpu.VMEM((N,), jnp.float32),
        pltpu.VMEM((EPW,), jnp.int32),
    ],
)
def _deg_k(dst_hbm, zeros_hbm, out_hbm, hist_v, dbuf):
    c = lax.axis_index("c")
    s = lax.axis_index("s")
    wid = c * 16 + s
    pltpu.sync_copy(zeros_hbm, hist_v)
    pltpu.sync_copy(dst_hbm.at[pl.ds(wid * EPW, EPW)], dbuf)
    ones = jnp.ones((16,), jnp.float32)
    io = lax.broadcasted_iota(jnp.int32, (16,), 0)
    masks = [io == l for l in range(16)]

    def body(g, carry):
        d16 = dbuf[pl.ds(g * 16, 16)]
        for l in range(16):
            plsc.addupdate_scatter(hist_v, [d16], ones, mask=masks[l])
        return carry

    lax.fori_loop(0, EPW // 16, body, 0)
    pltpu.sync_copy(hist_v, out_hbm.at[wid])



@functools.partial(
    pl.kernel,
    out_type=jax.ShapeDtypeStruct((F, N), jnp.float32),
    mesh=_mesh,
    compiler_params=_sc_params,
    scratch_types=[
        pltpu.VMEM((CPT, N), jnp.float32),
        pltpu.VMEM((2 * CPT, N), jnp.float32),
        pltpu.VMEM((CH,), jnp.int32),
        pltpu.VMEM((CH,), jnp.int32),
    ],
)
def _agg_k(src_hbm, dst_hbm, yst_hbm, zeros_hbm, out_hbm, ys_v, acc_v, sbuf, dbuf):
    c = lax.axis_index("c")
    s = lax.axis_index("s")
    wid = c * 16 + s
    pltpu.sync_copy(yst_hbm.at[pl.ds(wid * CPT, CPT)], ys_v)
    pltpu.sync_copy(zeros_hbm, acc_v)
    io = lax.broadcasted_iota(jnp.int32, (16,), 0)
    grot = [(cc + io) & 7 for cc in range(CPT)]
    arot = [(cc + io) & 15 for cc in range(CPT)]

    def chunk(ch, carry):
        pltpu.sync_copy(src_hbm.at[pl.ds(ch * CH, CH)], sbuf)
        pltpu.sync_copy(dst_hbm.at[pl.ds(ch * CH, CH)], dbuf)

        def body(g, carry2):
            idx = [(sbuf[pl.ds((g * GU + u) * 16, 16)],
                    dbuf[pl.ds((g * GU + u) * 16, 16)]) for u in range(GU)]
            vals = [[plsc.load_gather(ys_v, [grot[cc], s16])
                     for cc in range(CPT)] for (s16, _) in idx]
            for u in range(GU):
                d16 = idx[u][1]
                for cc in range(CPT):
                    plsc.addupdate_scatter(acc_v, [arot[cc], d16], vals[u][cc])
            return carry2

        lax.fori_loop(0, CH // (16 * GU), body, 0)
        return carry

    lax.fori_loop(0, E // CH, chunk, 0)

    def fold(j, carry):
        sl = pl.ds(j * 16, 16)
        for cc in range(CPT):
            acc_v[cc, sl] += acc_v[cc + CPT, sl]
        return carry

    lax.fori_loop(0, N // 16, fold, 0)
    pltpu.sync_copy(acc_v.at[pl.ds(0, CPT)], out_hbm.at[pl.ds(wid * CPT, CPT)])



def _dinv_diag(hist_blk):
    deg = jnp.sum(hist_blk, axis=0, keepdims=True) + 1.0
    dinv = lax.rsqrt(deg)
    r = lax.broadcasted_iota(jnp.int32, (BLK, BLK), 0)
    col = lax.broadcasted_iota(jnp.int32, (BLK, BLK), 1)
    return jnp.where(r == col, jnp.broadcast_to(dinv, (BLK, BLK)), 0.0)


_NT = (((1,), (1,)), ((), ()))


def _mm_t_body(xft_ref, a_ref, o_ref):
    o_ref[...] = lax.dot_general(xft_ref[...], a_ref[...], _NT,
                                 preferred_element_type=jnp.float32)


def _mm_t(xft, a):
    return pl.pallas_call(
        _mm_t_body,
        grid=(NBLK,),
        in_specs=[
            pl.BlockSpec((F, N), lambda i: (0, 0)),
            pl.BlockSpec((BLK, N), lambda i: (i, 0)),
        ],
        out_specs=pl.BlockSpec((F, BLK), lambda i: (0, i)),
        out_shape=jax.ShapeDtypeStruct((F, N), jnp.float32),
    )(xft, a)


def _stage_b_body(a1_ref, x1t_ref, xft_ref, hist_ref, w0t_ref, w1t_ref, o_ref):
    i = pl.program_id(0)
    x1t_full = x1t_ref[...]
    x1t_blk = x1t_ref[:, pl.ds(i * BLK, BLK)]
    x2t_blk = lax.dot_general(x1t_full, a1_ref[...], _NT,
                              preferred_element_type=jnp.float32)
    yt = (jnp.dot(w0t_ref[...], xft_ref[...] + x1t_blk,
                  preferred_element_type=jnp.float32)
          + jnp.dot(w1t_ref[...], x2t_blk, preferred_element_type=jnp.float32))
    o_ref[...] = jnp.dot(yt, _dinv_diag(hist_ref[...]),
                         preferred_element_type=jnp.float32)


def _stage_b(a1, x1t, xft, hist, w0t, w1t):
    return pl.pallas_call(
        _stage_b_body,
        grid=(NBLK,),
        in_specs=[
            pl.BlockSpec((BLK, N), lambda i: (i, 0)),
            pl.BlockSpec((F, N), lambda i: (0, 0)),
            pl.BlockSpec((F, BLK), lambda i: (0, i)),
            pl.BlockSpec((NW, BLK), lambda i: (0, i)),
            pl.BlockSpec((F, F), lambda i: (0, 0)),
            pl.BlockSpec((F, F), lambda i: (0, 0)),
        ],
        out_specs=pl.BlockSpec((F, BLK), lambda i: (0, i)),
        out_shape=jax.ShapeDtypeStruct((F, N), jnp.float32),
    )(a1, x1t, xft, hist, w0t, w1t)


def _combine_body(st_ref, yst_ref, hist_ref, b_ref, o_ref):
    sum_t = st_ref[...] + yst_ref[...]
    scaled = jnp.dot(sum_t, _dinv_diag(hist_ref[...]),
                     preferred_element_type=jnp.float32)
    o_ref[...] = jnp.transpose(scaled, (1, 0)) + b_ref[...]


def _combine(stt, yst, hist, bias_row):
    return pl.pallas_call(
        _combine_body,
        grid=(NBLK,),
        in_specs=[
            pl.BlockSpec((F, BLK), lambda i: (0, i)),
            pl.BlockSpec((F, BLK), lambda i: (0, i)),
            pl.BlockSpec((NW, BLK), lambda i: (0, i)),
            pl.BlockSpec((1, F), lambda i: (0, 0)),
        ],
        out_specs=pl.BlockSpec((BLK, F), lambda i: (i, 0)),
        out_shape=jax.ShapeDtypeStruct((N, F), jnp.float32),
    )(stt, yst, hist, bias_row)



def kernel(x, adj, cached_adj, Ws, bs):
    xft = x.reshape(N, F).T
    src = adj[0]
    dst = adj[1]
    eye_m = jnp.eye(M, dtype=jnp.float32)
    w0t = jnp.kron(eye_m, Ws[0].T)
    w1t = jnp.kron(eye_m, Ws[1].T)
    bias_row = jnp.tile(2.0 * bs[0] + bs[1], M).reshape(1, F)
    zeros_n = jnp.zeros((N,), jnp.float32)
    zeros_acc = jnp.zeros((2 * CPT, N), jnp.float32)

    hist = _deg_k(dst, zeros_n)
    x1t = _mm_t(xft, cached_adj[0])
    yst = _stage_b(cached_adj[1], x1t, xft, hist, w0t, w1t)
    st = _agg_k(src, dst, yst, zeros_acc)
    out = _combine(st, yst, hist, bias_row)
    return out.reshape(N, M, D)

# --- scband reference (transcript-rebuilt; emitter-appended) ---
"""Pipeline reference for scband-dsgraph-glayer-58841051955373 (READ-ONLY COPY).

The authoritative reference and input builder live on the scoring server;
editing this copy changes nothing except your own understanding.
"""

import jax, jax.numpy as jnp
import numpy as np

N = 4096
E = 65536
M = 2
D_IN = 128
D_OUT = 128
K = 2


def gcn_conv(x, edge_index, W, b):
    # Faithful GCNConv (PyG defaults): linear -> symmetric-normalized aggregation with self-loops -> bias.
    n = x.shape[0]
    src = jnp.concatenate([edge_index[0], jnp.arange(n, dtype=edge_index.dtype)])
    dst = jnp.concatenate([edge_index[1], jnp.arange(n, dtype=edge_index.dtype)])
    deg = jax.ops.segment_sum(jnp.ones(src.shape[0], dtype=x.dtype), dst, num_segments=n)
    dinv = jnp.where(deg > 0, jax.lax.rsqrt(jnp.maximum(deg, 1e-12)), 0.0)
    norm = dinv[src] * dinv[dst]
    xw = jnp.einsum('nmd,df->nmf', x, W)
    msgs = jnp.take(xw, src, axis=0) * norm[:, None, None]
    out = jax.ops.segment_sum(msgs, dst, num_segments=n)
    return out + b[None, None, :]


def setup_inputs(seed: int = 0) -> dict:
    key = jax.random.key(seed)
    k0, k1, k2, k3 = jax.random.split(key, 4)
    x = jax.random.normal(k0, (N, M, D_IN), dtype=jnp.float32)
    adj = jax.random.randint(k1, (2, E), 0, N, dtype=jnp.int32)
    # dense cached diffusion operators, scaled ~row-stochastic for numerical stability
    cached_adj = jax.random.uniform(k2, (K, N, N), dtype=jnp.float32) * (2.0 / N)
    # k+1 GCNConv layers worth of parameters (layer k is constructed but unused, as in the original)
    Ws = jax.random.normal(k3, (K + 1, D_IN, D_OUT), dtype=jnp.float32) * (1.0 / np.sqrt(D_IN))
    bs = jnp.zeros((K + 1, D_OUT), dtype=jnp.float32)
    return {"x": x, "adj": adj, "cached_adj": cached_adj, "Ws": Ws, "bs": bs}


def reference(x, adj, cached_adj, Ws, bs):
    # Lx = L[0](x, adj); then for (L[i], A_i) in zip(L, cached_adj):
    #   x_i = einsum('nj,jmd->nmd', A_i, x_i); Lx += L[i](x_i, adj)
    # (x_i initialized to x; zip pairs L[0..k-1] with the k cached adjacencies)
    Lx = gcn_conv(x, adj, Ws[0], bs[0])
    x_i = x
    for i in range(cached_adj.shape[0]):
        x_i = jnp.einsum('nj,jmd->nmd', cached_adj[i], x_i)
        Li_x = gcn_conv(x_i, adj, Ws[i], bs[i])
        Lx = Lx + Li_x
    return Lx

if __name__ == "__main__":
    import jax
    _d = setup_inputs()
    print(jax.jit(kernel)(*tuple(_d.values())))

</pallas_src>

<mosaic_0001>
#map = affine_map<(d0, d1) -> (0)>
#map1 = affine_map<(d0, d1) -> (0, 0)>
module attributes {stable_mosaic.version = 14 : i64} {
  func.func @_deg_k(%arg0: i32, %arg1: i32, %arg2: memref<65536xi32, #tpu.memory_space<hbm>>, %arg3: memref<4096xf32, #tpu.memory_space<hbm>>, %arg4: memref<32x4096xf32, #tpu.memory_space<hbm>>, %arg5: memref<4096xf32, #tpu.memory_space<vmem>>, %arg6: memref<2048xi32, #tpu.memory_space<vmem>>) attributes {dimension_semantics = [#tpu.dimension_semantics<core_parallel>, #tpu.dimension_semantics<subcore_parallel>], iteration_bounds = array<i64: 2, 16>, scalar_prefetch = 0 : i64, scratch_operands = 2 : i64, tpu.core_type = #tpu.core_type<sc_vector_subcore>, window_params = [{transform_indices = #map}, {transform_indices = #map}, {transform_indices = #map1}]} {
    %mul3A = arith.constant 16 : i32
    %mul3A_0 = arith.muli %arg0, %mul3A : i32
    %add3A = arith.addi %mul3A_0, %arg1 : i32
    "tpu.region"() ({
      %run_scoped3A = tpu.sem_alloc : memref<!tpu.dma_semaphore, #tpu.memory_space<semaphore_mem>>
      tpu.enqueue_dma source(%arg3 : memref<4096xf32, #tpu.memory_space<hbm>>) target(%arg5 : memref<4096xf32, #tpu.memory_space<vmem>>) target_semaphore(%run_scoped3A : memref<!tpu.dma_semaphore, #tpu.memory_space<semaphore_mem>>)
      tpu.wait_dma2 semaphore(%run_scoped3A : memref<!tpu.dma_semaphore, #tpu.memory_space<semaphore_mem>>) src(%arg3 : memref<4096xf32, #tpu.memory_space<hbm>>) dst(%arg5 : memref<4096xf32, #tpu.memory_space<vmem>>)
      tpu.yield
    }) : () -> ()
    %mul3A_1 = arith.constant 2048 : i32
    %mul3A_2 = arith.muli %add3A, %mul3A_1 : i32
    "tpu.region"() ({
      %run_scoped3A = tpu.sem_alloc : memref<!tpu.dma_semaphore, #tpu.memory_space<semaphore_mem>>
      %dma_start3A = tpu.memref_slice %arg2[%mul3A_2] : memref<65536xi32, #tpu.memory_space<hbm>> -> memref<2048xi32, #tpu.memory_space<hbm>>
      %dma_start3A_56 = tpu.memref_slice %arg2[%mul3A_2] : memref<65536xi32, #tpu.memory_space<hbm>> -> memref<2048xi32, #tpu.memory_space<hbm>>
      tpu.enqueue_dma source(%dma_start3A_56 : memref<2048xi32, #tpu.memory_space<hbm>>) target(%arg6 : memref<2048xi32, #tpu.memory_space<vmem>>) target_semaphore(%run_scoped3A : memref<!tpu.dma_semaphore, #tpu.memory_space<semaphore_mem>>)
      %dma_wait3A = tpu.memref_slice %arg2[%mul3A_2] : memref<65536xi32, #tpu.memory_space<hbm>> -> memref<2048xi32, #tpu.memory_space<hbm>>
      %dma_wait3A_57 = tpu.memref_slice %arg2[%mul3A_2] : memref<65536xi32, #tpu.memory_space<hbm>> -> memref<2048xi32, #tpu.memory_space<hbm>>
      tpu.wait_dma2 semaphore(%run_scoped3A : memref<!tpu.dma_semaphore, #tpu.memory_space<semaphore_mem>>) src(%dma_wait3A_57 : memref<2048xi32, #tpu.memory_space<hbm>>) dst(%arg6 : memref<2048xi32, #tpu.memory_space<vmem>>)
      tpu.yield
    }) : () -> ()
    %broadcast_in_dim3A = arith.constant 1.000000e+00 : f32
    %broadcast_in_dim3A_3 = vector.broadcast %broadcast_in_dim3A : f32 to vector<16xf32>
    %iota3A = tpu.iota {dimensions = array<i32: 0>} : vector<16xi32>
    %eq3A = arith.constant 0 : i32
    %eq3A_4 = vector.broadcast %eq3A : i32 to vector<16xi32>
    %eq3A_5 = arith.cmpi eq, %iota3A, %eq3A_4 : vector<16xi32>
    %eq3A_6 = arith.constant 1 : i32
    %eq3A_7 = vector.broadcast %eq3A_6 : i32 to vector<16xi32>
    %eq3A_8 = arith.cmpi eq, %iota3A, %eq3A_7 : vector<16xi32>
    %eq3A_9 = arith.constant 2 : i32
    %eq3A_10 = vector.broadcast %eq3A_9 : i32 to vector<16xi32>
    %eq3A_11 = arith.cmpi eq, %iota3A, %eq3A_10 : vector<16xi32>
    %eq3A_12 = arith.constant 3 : i32
    %eq3A_13 = vector.broadcast %eq3A_12 : i32 to vector<16xi32>
    %eq3A_14 = arith.cmpi eq, %iota3A, %eq3A_13 : vector<16xi32>
    %eq3A_15 = arith.constant 4 : i32
    %eq3A_16 = vector.broadcast %eq3A_15 : i32 to vector<16xi32>
    %eq3A_17 = arith.cmpi eq, %iota3A, %eq3A_16 : vector<16xi32>
    %eq3A_18 = arith.constant 5 : i32
    %eq3A_19 = vector.broadcast %eq3A_18 : i32 to vector<16xi32>
    %eq3A_20 = arith.cmpi eq, %iota3A, %eq3A_19 : vector<16xi32>
    %eq3A_21 = arith.constant 6 : i32
    %eq3A_22 = vector.broadcast %eq3A_21 : i32 to vector<16xi32>
    %eq3A_23 = arith.cmpi eq, %iota3A, %eq3A_22 : vector<16xi32>
    %eq3A_24 = arith.constant 7 : i32
    %eq3A_25 = vector.broadcast %eq3A_24 : i32 to vector<16xi32>
    %eq3A_26 = arith.cmpi eq, %iota3A, %eq3A_25 : vector<16xi32>
    %eq3A_27 = arith.constant 8 : i32
    %eq3A_28 = vector.broadcast %eq3A_27 : i32 to vector<16xi32>
    %eq3A_29 = arith.cmpi eq, %iota3A, %eq3A_28 : vector<16xi32>
    %eq3A_30 = arith.constant 9 : i32
    %eq3A_31 = vector.broadcast %eq3A_30 : i32 to vector<16xi32>
    %eq3A_32 = arith.cmpi eq, %iota3A, %eq3A_31 : vector<16xi32>
    %eq3A_33 = arith.constant 10 : i32
    %eq3A_34 = vector.broadcast %eq3A_33 : i32 to vector<16xi32>
    %eq3A_35 = arith.cmpi eq, %iota3A, %eq3A_34 : vector<16xi32>
    %eq3A_36 = arith.constant 11 : i32
    %eq3A_37 = vector.broadcast %eq3A_36 : i32 to vector<16xi32>
    %eq3A_38 = arith.cmpi eq, %iota3A, %eq3A_37 : vector<16xi32>
    %eq3A_39 = arith.constant 12 : i32
    %eq3A_40 = vector.broadcast %eq3A_39 : i32 to vector<16xi32>
    %eq3A_41 = arith.cmpi eq, %iota3A, %eq3A_40 : vector<16xi32>
    %eq3A_42 = arith.constant 13 : i32
    %eq3A_43 = vector.broadcast %eq3A_42 : i32 to vector<16xi32>
    %eq3A_44 = arith.cmpi eq, %iota3A, %eq3A_43 : vector<16xi32>
    %eq3A_45 = arith.constant 14 : i32
    %eq3A_46 = vector.broadcast %eq3A_45 : i32 to vector<16xi32>
    %eq3A_47 = arith.cmpi eq, %iota3A, %eq3A_46 : vector<16xi32>
    %eq3A_48 = arith.constant 15 : i32
    %eq3A_49 = vector.broadcast %eq3A_48 : i32 to vector<16xi32>
    %eq3A_50 = arith.cmpi eq, %iota3A, %eq3A_49 : vector<16xi32>
    %scan3A = arith.constant 0 : i32
    %scan3A_51 = arith.constant 0 : i32
    %scan3A_52 = arith.constant 128 : i32
    %scan3A_53 = arith.addi %scan3A_51, %scan3A_52 : i32
    %scan3A_54 = arith.constant 1 : i32
    scf.for %scan3A_56 = %scan3A_51 to %scan3A_53 step %scan3A_54  : i32 {
      %mul3A_57 = arith.constant 16 : i32
      %mul3A_58 = arith.muli %scan3A_56, %mul3A_57 : i32
      %get3A = arith.index_cast %mul3A_58 : i32 to index
      %get3A_59 = tpu.vector_load %arg6[%get3A] {strides = array<i32>} : memref<2048xi32, #tpu.memory_space<vmem>>, vector<16xi32>,
      tpu.vector_store_idx %arg5[%get3A_59], %broadcast_in_dim3A_3 masked %eq3A_5 {add = true} : memref<4096xf32, #tpu.memory_space<vmem>>[vector<16xi32>], vector<16xf32>, vector<16xi1>
      tpu.vector_store_idx %arg5[%get3A_59], %broadcast_in_dim3A_3 masked %eq3A_8 {add = true} : memref<4096xf32, #tpu.memory_space<vmem>>[vector<16xi32>], vector<16xf32>, vector<16xi1>
      tpu.vector_store_idx %arg5[%get3A_59], %broadcast_in_dim3A_3 masked %eq3A_11 {add = true} : memref<4096xf32, #tpu.memory_space<vmem>>[vector<16xi32>], vector<16xf32>, vector<16xi1>
      tpu.vector_store_idx %arg5[%get3A_59], %broadcast_in_dim3A_3 masked %eq3A_14 {add = true} : memref<4096xf32, #tpu.memory_space<vmem>>[vector<16xi32>], vector<16xf32>, vector<16xi1>
      tpu.vector_store_idx %arg5[%get3A_59], %broadcast_in_dim3A_3 masked %eq3A_17 {add = true} : memref<4096xf32, #tpu.memory_space<vmem>>[vector<16xi32>], vector<16xf32>, vector<16xi1>
      tpu.vector_store_idx %arg5[%get3A_59], %broadcast_in_dim3A_3 masked %eq3A_20 {add = true} : memref<4096xf32, #tpu.memory_space<vmem>>[vector<16xi32>], vector<16xf32>, vector<16xi1>
      tpu.vector_store_idx %arg5[%get3A_59], %broadcast_in_dim3A_3 masked %eq3A_23 {add = true} : memref<4096xf32, #tpu.memory_space<vmem>>[vector<16xi32>], vector<16xf32>, vector<16xi1>
      tpu.vector_store_idx %arg5[%get3A_59], %broadcast_in_dim3A_3 masked %eq3A_26 {add = true} : memref<4096xf32, #tpu.memory_space<vmem>>[vector<16xi32>], vector<16xf32>, vector<16xi1>
      tpu.vector_store_idx %arg5[%get3A_59], %broadcast_in_dim3A_3 masked %eq3A_29 {add = true} : memref<4096xf32, #tpu.memory_space<vmem>>[vector<16xi32>], vector<16xf32>, vector<16xi1>
      tpu.vector_store_idx %arg5[%get3A_59], %broadcast_in_dim3A_3 masked %eq3A_32 {add = true} : memref<4096xf32, #tpu.memory_space<vmem>>[vector<16xi32>], vector<16xf32>, vector<16xi1>
      tpu.vector_store_idx %arg5[%get3A_59], %broadcast_in_dim3A_3 masked %eq3A_35 {add = true} : memref<4096xf32, #tpu.memory_space<vmem>>[vector<16xi32>], vector<16xf32>, vector<16xi1>
      tpu.vector_store_idx %arg5[%get3A_59], %broadcast_in_dim3A_3 masked %eq3A_38 {add = true} : memref<4096xf32, #tpu.memory_space<vmem>>[vector<16xi32>], vector<16xf32>, vector<16xi1>
      tpu.vector_store_idx %arg5[%get3A_59], %broadcast_in_dim3A_3 masked %eq3A_41 {add = true} : memref<4096xf32, #tpu.memory_space<vmem>>[vector<16xi32>], vector<16xf32>, vector<16xi1>
      tpu.vector_store_idx %arg5[%get3A_59], %broadcast_in_dim3A_3 masked %eq3A_44 {add = true} : memref<4096xf32, #tpu.memory_space<vmem>>[vector<16xi32>], vector<16xf32>, vector<16xi1>
      tpu.vector_store_idx %arg5[%get3A_59], %broadcast_in_dim3A_3 masked %eq3A_47 {add = true} : memref<4096xf32, #tpu.memory_space<vmem>>[vector<16xi32>], vector<16xf32>, vector<16xi1>
      tpu.vector_store_idx %arg5[%get3A_59], %broadcast_in_dim3A_3 masked %eq3A_50 {add = true} : memref<4096xf32, #tpu.memory_space<vmem>>[vector<16xi32>], vector<16xf32>, vector<16xi1>
    }
    %scan3A_55 = arith.constant 128 : i32
    "tpu.region"() ({
      %run_scoped3A = tpu.sem_alloc : memref<!tpu.dma_semaphore, #tpu.memory_space<semaphore_mem>>
      %dma_start3A = arith.constant 0 : i32
      %dma_start3A_56 = tpu.memref_slice %arg4[%add3A, %dma_start3A] : memref<32x4096xf32, #tpu.memory_space<hbm>> -> memref<1x4096xf32, #tpu.memory_space<hbm>>
      %dma_start3A_57 = tpu.memref_squeeze %dma_start3A_56 : memref<1x4096xf32, #tpu.memory_space<hbm>> -> memref<4096xf32, #tpu.memory_space<hbm>>
      %dma_start3A_58 = arith.constant 0 : i32
      %dma_start3A_59 = tpu.memref_slice %arg4[%add3A, %dma_start3A_58] : memref<32x4096xf32, #tpu.memory_space<hbm>> -> memref<1x4096xf32, #tpu.memory_space<hbm>>
      %dma_start3A_60 = tpu.memref_squeeze %dma_start3A_59 : memref<1x4096xf32, #tpu.memory_space<hbm>> -> memref<4096xf32, #tpu.memory_space<hbm>>
      tpu.enqueue_dma source(%arg5 : memref<4096xf32, #tpu.memory_space<vmem>>) target(%dma_start3A_60 : memref<4096xf32, #tpu.memory_space<hbm>>) target_semaphore(%run_scoped3A : memref<!tpu.dma_semaphore, #tpu.memory_space<semaphore_mem>>)
      %dma_wait3A = arith.constant 0 : i32
      %dma_wait3A_61 = tpu.memref_slice %arg4[%add3A, %dma_wait3A] : memref<32x4096xf32, #tpu.memory_space<hbm>> -> memref<1x4096xf32, #tpu.memory_space<hbm>>
      %dma_wait3A_62 = tpu.memref_squeeze %dma_wait3A_61 : memref<1x4096xf32, #tpu.memory_space<hbm>> -> memref<4096xf32, #tpu.memory_space<hbm>>
      %dma_wait3A_63 = arith.constant 0 : i32
      %dma_wait3A_64 = tpu.memref_slice %arg4[%add3A, %dma_wait3A_63] : memref<32x4096xf32, #tpu.memory_space<hbm>> -> memref<1x4096xf32, #tpu.memory_space<hbm>>
      %dma_wait3A_65 = tpu.memref_squeeze %dma_wait3A_64 : memref<1x4096xf32, #tpu.memory_space<hbm>> -> memref<4096xf32, #tpu.memory_space<hbm>>
      tpu.wait_dma2 semaphore(%run_scoped3A : memref<!tpu.dma_semaphore, #tpu.memory_space<semaphore_mem>>) src(%arg5 : memref<4096xf32, #tpu.memory_space<vmem>>) dst(%dma_wait3A_65 : memref<4096xf32, #tpu.memory_space<hbm>>)
      tpu.yield
    }) : () -> ()
    return
  }
}

#map = affine_map<(d0, d1) -> (0)>
#map1 = affine_map<(d0, d1) -> (0, 0)>
module attributes {stable_mosaic.version = 14 : i64} {
  func.func @_agg_k(%arg0: i32, %arg1: i32, %arg2: memref<65536xi32, #tpu.memory_space<hbm>>, %arg3: memref<65536xi32, #tpu.memory_space<hbm>>, %arg4: memref<256x4096xf32, #tpu.memory_space<hbm>>, %arg5: memref<16x4096xf32, #tpu.memory_space<hbm>>, %arg6: memref<256x4096xf32, #tpu.memory_space<hbm>>, %arg7: memref<8x4096xf32, #tpu.memory_space<vmem>>, %arg8: memref<16x4096xf32, #tpu.memory_space<vmem>>, %arg9: memref<8192xi32, #tpu.memory_space<vmem>>, %arg10: memref<8192xi32, #tpu.memory_space<vmem>>) attributes {dimension_semantics = [#tpu.dimension_semantics<core_parallel>, #tpu.dimension_semantics<subcore_parallel>], iteration_bounds = array<i64: 2, 16>, scalar_prefetch = 0 : i64, scratch_operands = 4 : i64, tpu.core_type = #tpu.core_type<sc_vector_subcore>, window_params = [{transform_indices = #map}, {transform_indices = #map}, {transform_indices = #map1}, {transform_indices = #map1}, {transform_indices = #map1}]} {
    %mul3A = arith.constant 16 : i32
    %mul3A_0 = arith.muli %arg0, %mul3A : i32
    %add3A = arith.addi %mul3A_0, %arg1 : i32
    %mul3A_1 = arith.constant 8 : i32
    %mul3A_2 = arith.muli %add3A, %mul3A_1 : i32
    "tpu.region"() ({
      %run_scoped3A = tpu.sem_alloc : memref<!tpu.dma_semaphore, #tpu.memory_space<semaphore_mem>>
      %dma_start3A = arith.constant 0 : i32
      %dma_start3A_111 = tpu.memref_slice %arg4[%mul3A_2, %dma_start3A] : memref<256x4096xf32, #tpu.memory_space<hbm>> -> memref<8x4096xf32, #tpu.memory_space<hbm>>
      %dma_start3A_112 = arith.constant 0 : i32
      %dma_start3A_113 = tpu.memref_slice %arg4[%mul3A_2, %dma_start3A_112] : memref<256x4096xf32, #tpu.memory_space<hbm>> -> memref<8x4096xf32, #tpu.memory_space<hbm>>
      tpu.enqueue_dma source(%dma_start3A_113 : memref<8x4096xf32, #tpu.memory_space<hbm>>) target(%arg7 : memref<8x4096xf32, #tpu.memory_space<vmem>>) target_semaphore(%run_scoped3A : memref<!tpu.dma_semaphore, #tpu.memory_space<semaphore_mem>>)
      %dma_wait3A = arith.constant 0 : i32
      %dma_wait3A_114 = tpu.memref_slice %arg4[%mul3A_2, %dma_wait3A] : memref<256x4096xf32, #tpu.memory_space<hbm>> -> memref<8x4096xf32, #tpu.memory_space<hbm>>
      %dma_wait3A_115 = arith.constant 0 : i32
      %dma_wait3A_116 = tpu.memref_slice %arg4[%mul3A_2, %dma_wait3A_115] : memref<256x4096xf32, #tpu.memory_space<hbm>> -> memref<8x4096xf32, #tpu.memory_space<hbm>>
      tpu.wait_dma2 semaphore(%run_scoped3A : memref<!tpu.dma_semaphore, #tpu.memory_space<semaphore_mem>>) src(%dma_wait3A_116 : memref<8x4096xf32, #tpu.memory_space<hbm>>) dst(%arg7 : memref<8x4096xf32, #tpu.memory_space<vmem>>)
      tpu.yield
    }) : () -> ()
    "tpu.region"() ({
      %run_scoped3A = tpu.sem_alloc : memref<!tpu.dma_semaphore, #tpu.memory_space<semaphore_mem>>
      tpu.enqueue_dma source(%arg5 : memref<16x4096xf32, #tpu.memory_space<hbm>>) target(%arg8 : memref<16x4096xf32, #tpu.memory_space<vmem>>) target_semaphore(%run_scoped3A : memref<!tpu.dma_semaphore, #tpu.memory_space<semaphore_mem>>)
      tpu.wait_dma2 semaphore(%run_scoped3A : memref<!tpu.dma_semaphore, #tpu.memory_space<semaphore_mem>>) src(%arg5 : memref<16x4096xf32, #tpu.memory_space<hbm>>) dst(%arg8 : memref<16x4096xf32, #tpu.memory_space<vmem>>)
      tpu.yield
    }) : () -> ()
    %iota3A = tpu.iota {dimensions = array<i32: 0>} : vector<16xi32>
    %add3A_3 = arith.constant 0 : i32
    %add3A_4 = vector.broadcast %add3A_3 : i32 to vector<16xi32>
    %add3A_5 = arith.addi %add3A_4, %iota3A : vector<16xi32>
    %and3A = arith.constant 7 : i32
    %and3A_6 = vector.broadcast %and3A : i32 to vector<16xi32>
    %and3A_7 = arith.andi %add3A_5, %and3A_6 : vector<16xi32>
    %add3A_8 = arith.constant 1 : i32
    %add3A_9 = vector.broadcast %add3A_8 : i32 to vector<16xi32>
    %add3A_10 = arith.addi %add3A_9, %iota3A : vector<16xi32>
    %and3A_11 = arith.constant 7 : i32
    %and3A_12 = vector.broadcast %and3A_11 : i32 to vector<16xi32>
    %and3A_13 = arith.andi %add3A_10, %and3A_12 : vector<16xi32>
    %add3A_14 = arith.constant 2 : i32
    %add3A_15 = vector.broadcast %add3A_14 : i32 to vector<16xi32>
    %add3A_16 = arith.addi %add3A_15, %iota3A : vector<16xi32>
    %and3A_17 = arith.constant 7 : i32
    %and3A_18 = vector.broadcast %and3A_17 : i32 to vector<16xi32>
    %and3A_19 = arith.andi %add3A_16, %and3A_18 : vector<16xi32>
    %add3A_20 = arith.constant 3 : i32
    %add3A_21 = vector.broadcast %add3A_20 : i32 to vector<16xi32>
    %add3A_22 = arith.addi %add3A_21, %iota3A : vector<16xi32>
    %and3A_23 = arith.constant 7 : i32
    %and3A_24 = vector.broadcast %and3A_23 : i32 to vector<16xi32>
    %and3A_25 = arith.andi %add3A_22, %and3A_24 : vector<16xi32>
    %add3A_26 = arith.constant 4 : i32
    %add3A_27 = vector.broadcast %add3A_26 : i32 to vector<16xi32>
    %add3A_28 = arith.addi %add3A_27, %iota3A : vector<16xi32>
    %and3A_29 = arith.constant 7 : i32
    %and3A_30 = vector.broadcast %and3A_29 : i32 to vector<16xi32>
    %and3A_31 = arith.andi %add3A_28, %and3A_30 : vector<16xi32>
    %add3A_32 = arith.constant 5 : i32
    %add3A_33 = vector.broadcast %add3A_32 : i32 to vector<16xi32>
    %add3A_34 = arith.addi %add3A_33, %iota3A : vector<16xi32>
    %and3A_35 = arith.constant 7 : i32
    %and3A_36 = vector.broadcast %and3A_35 : i32 to vector<16xi32>
    %and3A_37 = arith.andi %add3A_34, %and3A_36 : vector<16xi32>
    %add3A_38 = arith.constant 6 : i32
    %add3A_39 = vector.broadcast %add3A_38 : i32 to vector<16xi32>
    %add3A_40 = arith.addi %add3A_39, %iota3A : vector<16xi32>
    %and3A_41 = arith.constant 7 : i32
    %and3A_42 = vector.broadcast %and3A_41 : i32 to vector<16xi32>
    %and3A_43 = arith.andi %add3A_40, %and3A_42 : vector<16xi32>
    %add3A_44 = arith.constant 7 : i32
    %add3A_45 = vector.broadcast %add3A_44 : i32 to vector<16xi32>
    %add3A_46 = arith.addi %add3A_45, %iota3A : vector<16xi32>
    %and3A_47 = arith.constant 7 : i32
    %and3A_48 = vector.broadcast %and3A_47 : i32 to vector<16xi32>
    %and3A_49 = arith.andi %add3A_46, %and3A_48 : vector<16xi32>
    %add3A_50 = arith.constant 0 : i32
    %add3A_51 = vector.broadcast %add3A_50 : i32 to vector<16xi32>
    %add3A_52 = arith.addi %add3A_51, %iota3A : vector<16xi32>
    %and3A_53 = arith.constant 15 : i32
    %and3A_54 = vector.broadcast %and3A_53 : i32 to vector<16xi32>
    %and3A_55 = arith.andi %add3A_52, %and3A_54 : vector<16xi32>
    %add3A_56 = arith.constant 1 : i32
    %add3A_57 = vector.broadcast %add3A_56 : i32 to vector<16xi32>
    %add3A_58 = arith.addi %add3A_57, %iota3A : vector<16xi32>
    %and3A_59 = arith.constant 15 : i32
    %and3A_60 = vector.broadcast %and3A_59 : i32 to vector<16xi32>
    %and3A_61 = arith.andi %add3A_58, %and3A_60 : vector<16xi32>
    %add3A_62 = arith.constant 2 : i32
    %add3A_63 = vector.broadcast %add3A_62 : i32 to vector<16xi32>
    %add3A_64 = arith.addi %add3A_63, %iota3A : vector<16xi32>
    %and3A_65 = arith.constant 15 : i32
    %and3A_66 = vector.broadcast %and3A_65 : i32 to vector<16xi32>
    %and3A_67 = arith.andi %add3A_64, %and3A_66 : vector<16xi32>
    %add3A_68 = arith.constant 3 : i32
    %add3A_69 = vector.broadcast %add3A_68 : i32 to vector<16xi32>
    %add3A_70 = arith.addi %add3A_69, %iota3A : vector<16xi32>
    %and3A_71 = arith.constant 15 : i32
    %and3A_72 = vector.broadcast %and3A_71 : i32 to vector<16xi32>
    %and3A_73 = arith.andi %add3A_70, %and3A_72 : vector<16xi32>
    %add3A_74 = arith.constant 4 : i32
    %add3A_75 = vector.broadcast %add3A_74 : i32 to vector<16xi32>
    %add3A_76 = arith.addi %add3A_75, %iota3A : vector<16xi32>
    %and3A_77 = arith.constant 15 : i32
    %and3A_78 = vector.broadcast %and3A_77 : i32 to vector<16xi32>
    %and3A_79 = arith.andi %add3A_76, %and3A_78 : vector<16xi32>
    %add3A_80 = arith.constant 5 : i32
    %add3A_81 = vector.broadcast %add3A_80 : i32 to vector<16xi32>
    %add3A_82 = arith.addi %add3A_81, %iota3A : vector<16xi32>
    %and3A_83 = arith.constant 15 : i32
    %and3A_84 = vector.broadcast %and3A_83 : i32 to vector<16xi32>
    %and3A_85 = arith.andi %add3A_82, %and3A_84 : vector<16xi32>
    %add3A_86 = arith.constant 6 : i32
    %add3A_87 = vector.broadcast %add3A_86 : i32 to vector<16xi32>
    %add3A_88 = arith.addi %add3A_87, %iota3A : vector<16xi32>
    %and3A_89 = arith.constant 15 : i32
    %and3A_90 = vector.broadcast %and3A_89 : i32 to vector<16xi32>
    %and3A_91 = arith.andi %add3A_88, %and3A_90 : vector<16xi32>
    %add3A_92 = arith.constant 7 : i32
    %add3A_93 = vector.broadcast %add3A_92 : i32 to vector<16xi32>
    %add3A_94 = arith.addi %add3A_93, %iota3A : vector<16xi32>
    %and3A_95 = arith.constant 15 : i32
    %and3A_96 = vector.broadcast %and3A_95 : i32 to vector<16xi32>
    %and3A_97 = arith.andi %add3A_94, %and3A_96 : vector<16xi32>
    %scan3A = arith.constant 0 : i32
    %scan3A_98 = arith.constant 0 : i32
    %scan3A_99 = arith.constant 8 : i32
    %scan3A_100 = arith.addi %scan3A_98, %scan3A_99 : i32
    %scan3A_101 = arith.constant 1 : i32
    scf.for %scan3A_111 = %scan3A_98 to %scan3A_100 step %scan3A_101  : i32 {
      %mul3A_112 = arith.constant 8192 : i32
      %mul3A_113 = arith.muli %scan3A_111, %mul3A_112 : i32
      "tpu.region"() ({
        %run_scoped3A = tpu.sem_alloc : memref<!tpu.dma_semaphore, #tpu.memory_space<semaphore_mem>>
        %dma_start3A = tpu.memref_slice %arg2[%mul3A_113] : memref<65536xi32, #tpu.memory_space<hbm>> -> memref<8192xi32, #tpu.memory_space<hbm>>
        %dma_start3A_122 = tpu.memref_slice %arg2[%mul3A_113] : memref<65536xi32, #tpu.memory_space<hbm>> -> memref<8192xi32, #tpu.memory_space<hbm>>
        tpu.enqueue_dma source(%dma_start3A_122 : memref<8192xi32, #tpu.memory_space<hbm>>) target(%arg9 : memref<8192xi32, #tpu.memory_space<vmem>>) target_semaphore(%run_scoped3A : memref<!tpu.dma_semaphore, #tpu.memory_space<semaphore_mem>>)
        %dma_wait3A = tpu.memref_slice %arg2[%mul3A_113] : memref<65536xi32, #tpu.memory_space<hbm>> -> memref<8192xi32, #tpu.memory_space<hbm>>
        %dma_wait3A_123 = tpu.memref_slice %arg2[%mul3A_113] : memref<65536xi32, #tpu.memory_space<hbm>> -> memref<8192xi32, #tpu.memory_space<hbm>>
        tpu.wait_dma2 semaphore(%run_scoped3A : memref<!tpu.dma_semaphore, #tpu.memory_space<semaphore_mem>>) src(%dma_wait3A_123 : memref<8192xi32, #tpu.memory_space<hbm>>) dst(%arg9 : memref<8192xi32, #tpu.memory_space<vmem>>)
        tpu.yield
      }) : () -> ()
      %mul3A_114 = arith.constant 8192 : i32
      %mul3A_115 = arith.muli %scan3A_111, %mul3A_114 : i32
      "tpu.region"() ({
        %run_scoped3A = tpu.sem_alloc : memref<!tpu.dma_semaphore, #tpu.memory_space<semaphore_mem>>
        %dma_start3A = tpu.memref_slice %arg3[%mul3A_115] : memref<65536xi32, #tpu.memory_space<hbm>> -> memref<8192xi32, #tpu.memory_space<hbm>>
        %dma_start3A_122 = tpu.memref_slice %arg3[%mul3A_115] : memref<65536xi32, #tpu.memory_space<hbm>> -> memref<8192xi32, #tpu.memory_space<hbm>>
        tpu.enqueue_dma source(%dma_start3A_122 : memref<8192xi32, #tpu.memory_space<hbm>>) target(%arg10 : memref<8192xi32, #tpu.memory_space<vmem>>) target_semaphore(%run_scoped3A : memref<!tpu.dma_semaphore, #tpu.memory_space<semaphore_mem>>)
        %dma_wait3A = tpu.memref_slice %arg3[%mul3A_115] : memref<65536xi32, #tpu.memory_space<hbm>> -> memref<8192xi32, #tpu.memory_space<hbm>>
        %dma_wait3A_123 = tpu.memref_slice %arg3[%mul3A_115] : memref<65536xi32, #tpu.memory_space<hbm>> -> memref<8192xi32, #tpu.memory_space<hbm>>
        tpu.wait_dma2 semaphore(%run_scoped3A : memref<!tpu.dma_semaphore, #tpu.memory_space<semaphore_mem>>) src(%dma_wait3A_123 : memref<8192xi32, #tpu.memory_space<hbm>>) dst(%arg10 : memref<8192xi32, #tpu.memory_space<vmem>>)
        tpu.yield
      }) : () -> ()
      %scan3A_116 = arith.constant 0 : i32
      %scan3A_117 = arith.constant 0 : i32
      %scan3A_118 = arith.constant 128 : i32
      %scan3A_119 = arith.addi %scan3A_117, %scan3A_118 : i32
      %scan3A_120 = arith.constant 1 : i32
      scf.for %scan3A_122 = %scan3A_117 to %scan3A_119 step %scan3A_120  : i32 {
        %mul3A_123 = arith.constant 4 : i32
        %mul3A_124 = arith.muli %scan3A_122, %mul3A_123 : i32
        %add3A_125 = arith.constant 0 : i32
        %add3A_126 = arith.addi %mul3A_124, %add3A_125 : i32
        %mul3A_127 = arith.constant 16 : i32
        %mul3A_128 = arith.muli %add3A_126, %mul3A_127 : i32
        %get3A = arith.index_cast %mul3A_128 : i32 to index
        %get3A_129 = tpu.vector_load %arg9[%get3A] {strides = array<i32>} : memref<8192xi32, #tpu.memory_space<vmem>>, vector<16xi32>,
        %mul3A_130 = arith.constant 4 : i32
        %mul3A_131 = arith.muli %scan3A_122, %mul3A_130 : i32
        %add3A_132 = arith.constant 0 : i32
        %add3A_133 = arith.addi %mul3A_131, %add3A_132 : i32
        %mul3A_134 = arith.constant 16 : i32
        %mul3A_135 = arith.muli %add3A_133, %mul3A_134 : i32
        %get3A_136 = arith.index_cast %mul3A_135 : i32 to index
        %get3A_137 = tpu.vector_load %arg10[%get3A_136] {strides = array<i32>} : memref<8192xi32, #tpu.memory_space<vmem>>, vector<16xi32>,
        %mul3A_138 = arith.constant 4 : i32
        %mul3A_139 = arith.muli %scan3A_122, %mul3A_138 : i32
        %add3A_140 = arith.constant 1 : i32
        %add3A_141 = arith.addi %mul3A_139, %add3A_140 : i32
        %mul3A_142 = arith.constant 16 : i32
        %mul3A_143 = arith.muli %add3A_141, %mul3A_142 : i32
        %get3A_144 = arith.index_cast %mul3A_143 : i32 to index
        %get3A_145 = tpu.vector_load %arg9[%get3A_144] {strides = array<i32>} : memref<8192xi32, #tpu.memory_space<vmem>>, vector<16xi32>,
        %mul3A_146 = arith.constant 4 : i32
        %mul3A_147 = arith.muli %scan3A_122, %mul3A_146 : i32
        %add3A_148 = arith.constant 1 : i32
        %add3A_149 = arith.addi %mul3A_147, %add3A_148 : i32
        %mul3A_150 = arith.constant 16 : i32
        %mul3A_151 = arith.muli %add3A_149, %mul3A_150 : i32
        %get3A_152 = arith.index_cast %mul3A_151 : i32 to index
        %get3A_153 = tpu.vector_load %arg10[%get3A_152] {strides = array<i32>} : memref<8192xi32, #tpu.memory_space<vmem>>, vector<16xi32>,
        %mul3A_154 = arith.constant 4 : i32
        %mul3A_155 = arith.muli %scan3A_122, %mul3A_154 : i32
        %add3A_156 = arith.constant 2 : i32
        %add3A_157 = arith.addi %mul3A_155, %add3A_156 : i32
        %mul3A_158 = arith.constant 16 : i32
        %mul3A_159 = arith.muli %add3A_157, %mul3A_158 : i32
        %get3A_160 = arith.index_cast %mul3A_159 : i32 to index
        %get3A_161 = tpu.vector_load %arg9[%get3A_160] {strides = array<i32>} : memref<8192xi32, #tpu.memory_space<vmem>>, vector<16xi32>,
        %mul3A_162 = arith.constant 4 : i32
        %mul3A_163 = arith.muli %scan3A_122, %mul3A_162 : i32
        %add3A_164 = arith.constant 2 : i32
        %add3A_165 = arith.addi %mul3A_163, %add3A_164 : i32
        %mul3A_166 = arith.constant 16 : i32
        %mul3A_167 = arith.muli %add3A_165, %mul3A_166 : i32
        %get3A_168 = arith.index_cast %mul3A_167 : i32 to index
        %get3A_169 = tpu.vector_load %arg10[%get3A_168] {strides = array<i32>} : memref<8192xi32, #tpu.memory_space<vmem>>, vector<16xi32>,
        %mul3A_170 = arith.constant 4 : i32
        %mul3A_171 = arith.muli %scan3A_122, %mul3A_170 : i32
        %add3A_172 = arith.constant 3 : i32
        %add3A_173 = arith.addi %mul3A_171, %add3A_172 : i32
        %mul3A_174 = arith.constant 16 : i32
        %mul3A_175 = arith.muli %add3A_173, %mul3A_174 : i32
        %get3A_176 = arith.index_cast %mul3A_175 : i32 to index
        %get3A_177 = tpu.vector_load %arg9[%get3A_176] {strides = array<i32>} : memref<8192xi32, #tpu.memory_space<vmem>>, vector<16xi32>,
        %mul3A_178 = arith.constant 4 : i32
        %mul3A_179 = arith.muli %scan3A_122, %mul3A_178 : i32
        %add3A_180 = arith.constant 3 : i32
        %add3A_181 = arith.addi %mul3A_179, %add3A_180 : i32
        %mul3A_182 = arith.constant 16 : i32
        %mul3A_183 = arith.muli %add3A_181, %mul3A_182 : i32
        %get3A_184 = arith.index_cast %mul3A_183 : i32 to index
        %get3A_185 = tpu.vector_load %arg10[%get3A_184] {strides = array<i32>} : memref<8192xi32, #tpu.memory_space<vmem>>, vector<16xi32>,
        %gather3A = tpu.vector_load_idx %arg7[%and3A_7, %get3A_129] : memref<8x4096xf32, #tpu.memory_space<vmem>>[vector<16xi32>, vector<16xi32>], vector<16xf32>,
        %gather3A_186 = tpu.vector_load_idx %arg7[%and3A_13, %get3A_129] : memref<8x4096xf32, #tpu.memory_space<vmem>>[vector<16xi32>, vector<16xi32>], vector<16xf32>,
        %gather3A_187 = tpu.vector_load_idx %arg7[%and3A_19, %get3A_129] : memref<8x4096xf32, #tpu.memory_space<vmem>>[vector<16xi32>, vector<16xi32>], vector<16xf32>,
        %gather3A_188 = tpu.vector_load_idx %arg7[%and3A_25, %get3A_129] : memref<8x4096xf32, #tpu.memory_space<vmem>>[vector<16xi32>, vector<16xi32>], vector<16xf32>,
        %gather3A_189 = tpu.vector_load_idx %arg7[%and3A_31, %get3A_129] : memref<8x4096xf32, #tpu.memory_space<vmem>>[vector<16xi32>, vector<16xi32>], vector<16xf32>,
        %gather3A_190 = tpu.vector_load_idx %arg7[%and3A_37, %get3A_129] : memref<8x4096xf32, #tpu.memory_space<vmem>>[vector<16xi32>, vector<16xi32>], vector<16xf32>,
        %gather3A_191 = tpu.vector_load_idx %arg7[%and3A_43, %get3A_129] : memref<8x4096xf32, #tpu.memory_space<vmem>>[vector<16xi32>, vector<16xi32>], vector<16xf32>,
        %gather3A_192 = tpu.vector_load_idx %arg7[%and3A_49, %get3A_129] : memref<8x4096xf32, #tpu.memory_space<vmem>>[vector<16xi32>, vector<16xi32>], vector<16xf32>,
        %gather3A_193 = tpu.vector_load_idx %arg7[%and3A_7, %get3A_145] : memref<8x4096xf32, #tpu.memory_space<vmem>>[vector<16xi32>, vector<16xi32>], vector<16xf32>,
        %gather3A_194 = tpu.vector_load_idx %arg7[%and3A_13, %get3A_145] : memref<8x4096xf32, #tpu.memory_space<vmem>>[vector<16xi32>, vector<16xi32>], vector<16xf32>,
        %gather3A_195 = tpu.vector_load_idx %arg7[%and3A_19, %get3A_145] : memref<8x4096xf32, #tpu.memory_space<vmem>>[vector<16xi32>, vector<16xi32>], vector<16xf32>,
        %gather3A_196 = tpu.vector_load_idx %arg7[%and3A_25, %get3A_145] : memref<8x4096xf32, #tpu.memory_space<vmem>>[vector<16xi32>, vector<16xi32>], vector<16xf32>,
        %gather3A_197 = tpu.vector_load_idx %arg7[%and3A_31, %get3A_145] : memref<8x4096xf32, #tpu.memory_space<vmem>>[vector<16xi32>, vector<16xi32>], vector<16xf32>,
        %gather3A_198 = tpu.vector_load_idx %arg7[%and3A_37, %get3A_145] : memref<8x4096xf32, #tpu.memory_space<vmem>>[vector<16xi32>, vector<16xi32>], vector<16xf32>,
        %gather3A_199 = tpu.vector_load_idx %arg7[%and3A_43, %get3A_145] : memref<8x4096xf32, #tpu.memory_space<vmem>>[vector<16xi32>, vector<16xi32>], vector<16xf32>,
        %gather3A_200 = tpu.vector_load_idx %arg7[%and3A_49, %get3A_145] : memref<8x4096xf32, #tpu.memory_space<vmem>>[vector<16xi32>, vector<16xi32>], vector<16xf32>,
        %gather3A_201 = tpu.vector_load_idx %arg7[%and3A_7, %get3A_161] : memref<8x4096xf32, #tpu.memory_space<vmem>>[vector<16xi32>, vector<16xi32>], vector<16xf32>,
        %gather3A_202 = tpu.vector_load_idx %arg7[%and3A_13, %get3A_161] : memref<8x4096xf32, #tpu.memory_space<vmem>>[vector<16xi32>, vector<16xi32>], vector<16xf32>,
        %gather3A_203 = tpu.vector_load_idx %arg7[%and3A_19, %get3A_161] : memref<8x4096xf32, #tpu.memory_space<vmem>>[vector<16xi32>, vector<16xi32>], vector<16xf32>,
        %gather3A_204 = tpu.vector_load_idx %arg7[%and3A_25, %get3A_161] : memref<8x4096xf32, #tpu.memory_space<vmem>>[vector<16xi32>, vector<16xi32>], vector<16xf32>,
        %gather3A_205 = tpu.vector_load_idx %arg7[%and3A_31, %get3A_161] : memref<8x4096xf32, #tpu.memory_space<vmem>>[vector<16xi32>, vector<16xi32>], vector<16xf32>,
        %gather3A_206 = tpu.vector_load_idx %arg7[%and3A_37, %get3A_161] : memref<8x4096xf32, #tpu.memory_space<vmem>>[vector<16xi32>, vector<16xi32>], vector<16xf32>,
        %gather3A_207 = tpu.vector_load_idx %arg7[%and3A_43, %get3A_161] : memref<8x4096xf32, #tpu.memory_space<vmem>>[vector<16xi32>, vector<16xi32>], vector<16xf32>,
        %gather3A_208 = tpu.vector_load_idx %arg7[%and3A_49, %get3A_161] : memref<8x4096xf32, #tpu.memory_space<vmem>>[vector<16xi32>, vector<16xi32>], vector<16xf32>,
        %gather3A_209 = tpu.vector_load_idx %arg7[%and3A_7, %get3A_177] : memref<8x4096xf32, #tpu.memory_space<vmem>>[vector<16xi32>, vector<16xi32>], vector<16xf32>,
        %gather3A_210 = tpu.vector_load_idx %arg7[%and3A_13, %get3A_177] : memref<8x4096xf32, #tpu.memory_space<vmem>>[vector<16xi32>, vector<16xi32>], vector<16xf32>,
        %gather3A_211 = tpu.vector_load_idx %arg7[%and3A_19, %get3A_177] : memref<8x4096xf32, #tpu.memory_space<vmem>>[vector<16xi32>, vector<16xi32>], vector<16xf32>,
        %gather3A_212 = tpu.vector_load_idx %arg7[%and3A_25, %get3A_177] : memref<8x4096xf32, #tpu.memory_space<vmem>>[vector<16xi32>, vector<16xi32>], vector<16xf32>,
        %gather3A_213 = tpu.vector_load_idx %arg7[%and3A_31, %get3A_177] : memref<8x4096xf32, #tpu.memory_space<vmem>>[vector<16xi32>, vector<16xi32>], vector<16xf32>,
        %gather3A_214 = tpu.vector_load_idx %arg7[%and3A_37, %get3A_177] : memref<8x4096xf32, #tpu.memory_space<vmem>>[vector<16xi32>, vector<16xi32>], vector<16xf32>,
        %gather3A_215 = tpu.vector_load_idx %arg7[%and3A_43, %get3A_177] : memref<8x4096xf32, #tpu.memory_space<vmem>>[vector<16xi32>, vector<16xi32>], vector<16xf32>,
        %gather3A_216 = tpu.vector_load_idx %arg7[%and3A_49, %get3A_177] : memref<8x4096xf32, #tpu.memory_space<vmem>>[vector<16xi32>, vector<16xi32>], vector<16xf32>,
        tpu.vector_store_idx %arg8[%and3A_55, %get3A_137], %gather3A {add = true} : memref<16x4096xf32, #tpu.memory_space<vmem>>[vector<16xi32>, vector<16xi32>], vector<16xf32>,
        tpu.vector_store_idx %arg8[%and3A_61, %get3A_137], %gather3A_186 {add = true} : memref<16x4096xf32, #tpu.memory_space<vmem>>[vector<16xi32>, vector<16xi32>], vector<16xf32>,
        tpu.vector_store_idx %arg8[%and3A_67, %get3A_137], %gather3A_187 {add = true} : memref<16x4096xf32, #tpu.memory_space<vmem>>[vector<16xi32>, vector<16xi32>], vector<16xf32>,
        tpu.vector_store_idx %arg8[%and3A_73, %get3A_137], %gather3A_188 {add = true} : memref<16x4096xf32, #tpu.memory_space<vmem>>[vector<16xi32>, vector<16xi32>], vector<16xf32>,
        tpu.vector_store_idx %arg8[%and3A_79, %get3A_137], %gather3A_189 {add = true} : memref<16x4096xf32, #tpu.memory_space<vmem>>[vector<16xi32>, vector<16xi32>], vector<16xf32>,
        tpu.vector_store_idx %arg8[%and3A_85, %get3A_137], %gather3A_190 {add = true} : memref<16x4096xf32, #tpu.memory_space<vmem>>[vector<16xi32>, vector<16xi32>], vector<16xf32>,
        tpu.vector_store_idx %arg8[%and3A_91, %get3A_137], %gather3A_191 {add = true} : memref<16x4096xf32, #tpu.memory_space<vmem>>[vector<16xi32>, vector<16xi32>], vector<16xf32>,
        tpu.vector_store_idx %arg8[%and3A_97, %get3A_137], %gather3A_192 {add = true} : memref<16x4096xf32, #tpu.memory_space<vmem>>[vector<16xi32>, vector<16xi32>], vector<16xf32>,
        tpu.vector_store_idx %arg8[%and3A_55, %get3A_153], %gather3A_193 {add = true} : memref<16x4096xf32, #tpu.memory_space<vmem>>[vector<16xi32>, vector<16xi32>], vector<16xf32>,
        tpu.vector_store_idx %arg8[%and3A_61, %get3A_153], %gather3A_194 {add = true} : memref<16x4096xf32, #tpu.memory_space<vmem>>[vector<16xi32>, vector<16xi32>], vector<16xf32>,
        tpu.vector_store_idx %arg8[%and3A_67, %get3A_153], %gather3A_195 {add = true} : memref<16x4096xf32, #tpu.memory_space<vmem>>[vector<16xi32>, vector<16xi32>], vector<16xf32>,
        tpu.vector_store_idx %arg8[%and3A_73, %get3A_153], %gather3A_196 {add = true} : memref<16x4096xf32, #tpu.memory_space<vmem>>[vector<16xi32>, vector<16xi32>], vector<16xf32>,
        tpu.vector_store_idx %arg8[%and3A_79, %get3A_153], %gather3A_197 {add = true} : memref<16x4096xf32, #tpu.memory_space<vmem>>[vector<16xi32>, vector<16xi32>], vector<16xf32>,
        tpu.vector_store_idx %arg8[%and3A_85, %get3A_153], %gather3A_198 {add = true} : memref<16x4096xf32, #tpu.memory_space<vmem>>[vector<16xi32>, vector<16xi32>], vector<16xf32>,
        tpu.vector_store_idx %arg8[%and3A_91, %get3A_153], %gather3A_199 {add = true} : memref<16x4096xf32, #tpu.memory_space<vmem>>[vector<16xi32>, vector<16xi32>], vector<16xf32>,
        tpu.vector_store_idx %arg8[%and3A_97, %get3A_153], %gather3A_200 {add = true} : memref<16x4096xf32, #tpu.memory_space<vmem>>[vector<16xi32>, vector<16xi32>], vector<16xf32>,
        tpu.vector_store_idx %arg8[%and3A_55, %get3A_169], %gather3A_201 {add = true} : memref<16x4096xf32, #tpu.memory_space<vmem>>[vector<16xi32>, vector<16xi32>], vector<16xf32>,
        tpu.vector_store_idx %arg8[%and3A_61, %get3A_169], %gather3A_202 {add = true} : memref<16x4096xf32, #tpu.memory_space<vmem>>[vector<16xi32>, vector<16xi32>], vector<16xf32>,
        tpu.vector_store_idx %arg8[%and3A_67, %get3A_169], %gather3A_203 {add = true} : memref<16x4096xf32, #tpu.memory_space<vmem>>[vector<16xi32>, vector<16xi32>], vector<16xf32>,
        tpu.vector_store_idx %arg8[%and3A_73, %get3A_169], %gather3A_204 {add = true} : memref<16x4096xf32, #tpu.memory_space<vmem>>[vector<16xi32>, vector<16xi32>], vector<16xf32>,
        tpu.vector_store_idx %arg8[%and3A_79, %get3A_169], %gather3A_205 {add = true} : memref<16x4096xf32, #tpu.memory_space<vmem>>[vector<16xi32>, vector<16xi32>], vector<16xf32>,
        tpu.vector_store_idx %arg8[%and3A_85, %get3A_169], %gather3A_206 {add = true} : memref<16x4096xf32, #tpu.memory_space<vmem>>[vector<16xi32>, vector<16xi32>], vector<16xf32>,
        tpu.vector_store_idx %arg8[%and3A_91, %get3A_169], %gather3A_207 {add = true} : memref<16x4096xf32, #tpu.memory_space<vmem>>[vector<16xi32>, vector<16xi32>], vector<16xf32>,
        tpu.vector_store_idx %arg8[%and3A_97, %get3A_169], %gather3A_208 {add = true} : memref<16x4096xf32, #tpu.memory_space<vmem>>[vector<16xi32>, vector<16xi32>], vector<16xf32>,
        tpu.vector_store_idx %arg8[%and3A_55, %get3A_185], %gather3A_209 {add = true} : memref<16x4096xf32, #tpu.memory_space<vmem>>[vector<16xi32>, vector<16xi32>], vector<16xf32>,
        tpu.vector_store_idx %arg8[%and3A_61, %get3A_185], %gather3A_210 {add = true} : memref<16x4096xf32, #tpu.memory_space<vmem>>[vector<16xi32>, vector<16xi32>], vector<16xf32>,
        tpu.vector_store_idx %arg8[%and3A_67, %get3A_185], %gather3A_211 {add = true} : memref<16x4096xf32, #tpu.memory_space<vmem>>[vector<16xi32>, vector<16xi32>], vector<16xf32>,
        tpu.vector_store_idx %arg8[%and3A_73, %get3A_185], %gather3A_212 {add = true} : memref<16x4096xf32, #tpu.memory_space<vmem>>[vector<16xi32>, vector<16xi32>], vector<16xf32>,
        tpu.vector_store_idx %arg8[%and3A_79, %get3A_185], %gather3A_213 {add = true} : memref<16x4096xf32, #tpu.memory_space<vmem>>[vector<16xi32>, vector<16xi32>], vector<16xf32>,
        tpu.vector_store_idx %arg8[%and3A_85, %get3A_185], %gather3A_214 {add = true} : memref<16x4096xf32, #tpu.memory_space<vmem>>[vector<16xi32>, vector<16xi32>], vector<16xf32>,
        tpu.vector_store_idx %arg8[%and3A_91, %get3A_185], %gather3A_215 {add = true} : memref<16x4096xf32, #tpu.memory_space<vmem>>[vector<16xi32>, vector<16xi32>], vector<16xf32>,
        tpu.vector_store_idx %arg8[%and3A_97, %get3A_185], %gather3A_216 {add = true} : memref<16x4096xf32, #tpu.memory_space<vmem>>[vector<16xi32>, vector<16xi32>], vector<16xf32>,
      }
      %scan3A_121 = arith.constant 128 : i32
    }
    %scan3A_102 = arith.constant 8 : i32
    %scan3A_103 = arith.constant 0 : i32
    %scan3A_104 = arith.constant 0 : i32
    %scan3A_105 = arith.constant 256 : i32
    %scan3A_106 = arith.addi %scan3A_104, %scan3A_105 : i32
    %scan3A_107 = arith.constant 1 : i32
    scf.for %scan3A_111 = %scan3A_104 to %scan3A_106 step %scan3A_107  : i32 {
      %mul3A_112 = arith.constant 16 : i32
      %mul3A_113 = arith.muli %scan3A_111, %mul3A_112 : i32
      %get3A = arith.constant 0 : i32
      %get3A_114 = arith.index_cast %get3A : i32 to index
      %get3A_115 = arith.index_cast %mul3A_113 : i32 to index
      %get3A_116 = tpu.vector_load %arg8[%get3A_114, %get3A_115] {strides = array<i32>} : memref<16x4096xf32, #tpu.memory_space<vmem>>, vector<16xf32>,
      %get3A_117 = arith.constant 8 : i32
      %get3A_118 = arith.index_cast %get3A_117 : i32 to index
      %get3A_119 = arith.index_cast %mul3A_113 : i32 to index
      %get3A_120 = tpu.vector_load %arg8[%get3A_118, %get3A_119] {strides = array<i32>} : memref<16x4096xf32, #tpu.memory_space<vmem>>, vector<16xf32>,
      %add3A_121 = arith.addf %get3A_116, %get3A_120 : vector<16xf32>
      %swap3A = arith.constant 0 : i32
      %swap3A_122 = arith.index_cast %swap3A : i32 to index
      %swap3A_123 = arith.index_cast %mul3A_113 : i32 to index
      %swap3A_124 = tpu.vector_load %arg8[%swap3A_122, %swap3A_123] {strides = array<i32>} : memref<16x4096xf32, #tpu.memory_space<vmem>>, vector<16xf32>,
      tpu.vector_store %arg8[%swap3A_122, %swap3A_123], %add3A_121 {strides = array<i32>} : memref<16x4096xf32, #tpu.memory_space<vmem>>, vector<16xf32>,
      %get3A_125 = arith.constant 1 : i32
      %get3A_126 = arith.index_cast %get3A_125 : i32 to index
      %get3A_127 = arith.index_cast %mul3A_113 : i32 to index
      %get3A_128 = tpu.vector_load %arg8[%get3A_126, %get3A_127] {strides = array<i32>} : memref<16x4096xf32, #tpu.memory_space<vmem>>, vector<16xf32>,
      %get3A_129 = arith.constant 9 : i32
      %get3A_130 = arith.index_cast %get3A_129 : i32 to index
      %get3A_131 = arith.index_cast %mul3A_113 : i32 to index
      %get3A_132 = tpu.vector_load %arg8[%get3A_130, %get3A_131] {strides = array<i32>} : memref<16x4096xf32, #tpu.memory_space<vmem>>, vector<16xf32>,
      %add3A_133 = arith.addf %get3A_128, %get3A_132 : vector<16xf32>
      %swap3A_134 = arith.constant 1 : i32
      %swap3A_135 = arith.index_cast %swap3A_134 : i32 to index
      %swap3A_136 = arith.index_cast %mul3A_113 : i32 to index
      %swap3A_137 = tpu.vector_load %arg8[%swap3A_135, %swap3A_136] {strides = array<i32>} : memref<16x4096xf32, #tpu.memory_space<vmem>>, vector<16xf32>,
      tpu.vector_store %arg8[%swap3A_135, %swap3A_136], %add3A_133 {strides = array<i32>} : memref<16x4096xf32, #tpu.memory_space<vmem>>, vector<16xf32>,
      %get3A_138 = arith.constant 2 : i32
      %get3A_139 = arith.index_cast %get3A_138 : i32 to index
      %get3A_140 = arith.index_cast %mul3A_113 : i32 to index
      %get3A_141 = tpu.vector_load %arg8[%get3A_139, %get3A_140] {strides = array<i32>} : memref<16x4096xf32, #tpu.memory_space<vmem>>, vector<16xf32>,
      %get3A_142 = arith.constant 10 : i32
      %get3A_143 = arith.index_cast %get3A_142 : i32 to index
      %get3A_144 = arith.index_cast %mul3A_113 : i32 to index
      %get3A_145 = tpu.vector_load %arg8[%get3A_143, %get3A_144] {strides = array<i32>} : memref<16x4096xf32, #tpu.memory_space<vmem>>, vector<16xf32>,
      %add3A_146 = arith.addf %get3A_141, %get3A_145 : vector<16xf32>
      %swap3A_147 = arith.constant 2 : i32
      %swap3A_148 = arith.index_cast %swap3A_147 : i32 to index
      %swap3A_149 = arith.index_cast %mul3A_113 : i32 to index
      %swap3A_150 = tpu.vector_load %arg8[%swap3A_148, %swap3A_149] {strides = array<i32>} : memref<16x4096xf32, #tpu.memory_space<vmem>>, vector<16xf32>,
      tpu.vector_store %arg8[%swap3A_148, %swap3A_149], %add3A_146 {strides = array<i32>} : memref<16x4096xf32, #tpu.memory_space<vmem>>, vector<16xf32>,
      %get3A_151 = arith.constant 3 : i32
      %get3A_152 = arith.index_cast %get3A_151 : i32 to index
      %get3A_153 = arith.index_cast %mul3A_113 : i32 to index
      %get3A_154 = tpu.vector_load %arg8[%get3A_152, %get3A_153] {strides = array<i32>} : memref<16x4096xf32, #tpu.memory_space<vmem>>, vector<16xf32>,
      %get3A_155 = arith.constant 11 : i32
      %get3A_156 = arith.index_cast %get3A_155 : i32 to index
      %get3A_157 = arith.index_cast %mul3A_113 : i32 to index
      %get3A_158 = tpu.vector_load %arg8[%get3A_156, %get3A_157] {strides = array<i32>} : memref<16x4096xf32, #tpu.memory_space<vmem>>, vector<16xf32>,
      %add3A_159 = arith.addf %get3A_154, %get3A_158 : vector<16xf32>
      %swap3A_160 = arith.constant 3 : i32
      %swap3A_161 = arith.index_cast %swap3A_160 : i32 to index
      %swap3A_162 = arith.index_cast %mul3A_113 : i32 to index
      %swap3A_163 = tpu.vector_load %arg8[%swap3A_161, %swap3A_162] {strides = array<i32>} : memref<16x4096xf32, #tpu.memory_space<vmem>>, vector<16xf32>,
      tpu.vector_store %arg8[%swap3A_161, %swap3A_162], %add3A_159 {strides = array<i32>} : memref<16x4096xf32, #tpu.memory_space<vmem>>, vector<16xf32>,
      %get3A_164 = arith.constant 4 : i32
      %get3A_165 = arith.index_cast %get3A_164 : i32 to index
      %get3A_166 = arith.index_cast %mul3A_113 : i32 to index
      %get3A_167 = tpu.vector_load %arg8[%get3A_165, %get3A_166] {strides = array<i32>} : memref<16x4096xf32, #tpu.memory_space<vmem>>, vector<16xf32>,
      %get3A_168 = arith.constant 12 : i32
      %get3A_169 = arith.index_cast %get3A_168 : i32 to index
      %get3A_170 = arith.index_cast %mul3A_113 : i32 to index
      %get3A_171 = tpu.vector_load %arg8[%get3A_169, %get3A_170] {strides = array<i32>} : memref<16x4096xf32, #tpu.memory_space<vmem>>, vector<16xf32>,
      %add3A_172 = arith.addf %get3A_167, %get3A_171 : vector<16xf32>
      %swap3A_173 = arith.constant 4 : i32
      %swap3A_174 = arith.index_cast %swap3A_173 : i32 to index
      %swap3A_175 = arith.index_cast %mul3A_113 : i32 to index
      %swap3A_176 = tpu.vector_load %arg8[%swap3A_174, %swap3A_175] {strides = array<i32>} : memref<16x4096xf32, #tpu.memory_space<vmem>>, vector<16xf32>,
      tpu.vector_store %arg8[%swap3A_174, %swap3A_175], %add3A_172 {strides = array<i32>} : memref<16x4096xf32, #tpu.memory_space<vmem>>, vector<16xf32>,
      %get3A_177 = arith.constant 5 : i32
      %get3A_178 = arith.index_cast %get3A_177 : i32 to index
      %get3A_179 = arith.index_cast %mul3A_113 : i32 to index
      %get3A_180 = tpu.vector_load %arg8[%get3A_178, %get3A_179] {strides = array<i32>} : memref<16x4096xf32, #tpu.memory_space<vmem>>, vector<16xf32>,
      %get3A_181 = arith.constant 13 : i32
      %get3A_182 = arith.index_cast %get3A_181 : i32 to index
      %get3A_183 = arith.index_cast %mul3A_113 : i32 to index
      %get3A_184 = tpu.vector_load %arg8[%get3A_182, %get3A_183] {strides = array<i32>} : memref<16x4096xf32, #tpu.memory_space<vmem>>, vector<16xf32>,
      %add3A_185 = arith.addf %get3A_180, %get3A_184 : vector<16xf32>
      %swap3A_186 = arith.constant 5 : i32
      %swap3A_187 = arith.index_cast %swap3A_186 : i32 to index
      %swap3A_188 = arith.index_cast %mul3A_113 : i32 to index
      %swap3A_189 = tpu.vector_load %arg8[%swap3A_187, %swap3A_188] {strides = array<i32>} : memref<16x4096xf32, #tpu.memory_space<vmem>>, vector<16xf32>,
      tpu.vector_store %arg8[%swap3A_187, %swap3A_188], %add3A_185 {strides = array<i32>} : memref<16x4096xf32, #tpu.memory_space<vmem>>, vector<16xf32>,
      %get3A_190 = arith.constant 6 : i32
      %get3A_191 = arith.index_cast %get3A_190 : i32 to index
      %get3A_192 = arith.index_cast %mul3A_113 : i32 to index
      %get3A_193 = tpu.vector_load %arg8[%get3A_191, %get3A_192] {strides = array<i32>} : memref<16x4096xf32, #tpu.memory_space<vmem>>, vector<16xf32>,
      %get3A_194 = arith.constant 14 : i32
      %get3A_195 = arith.index_cast %get3A_194 : i32 to index
      %get3A_196 = arith.index_cast %mul3A_113 : i32 to index
      %get3A_197 = tpu.vector_load %arg8[%get3A_195, %get3A_196] {strides = array<i32>} : memref<16x4096xf32, #tpu.memory_space<vmem>>, vector<16xf32>,
      %add3A_198 = arith.addf %get3A_193, %get3A_197 : vector<16xf32>
      %swap3A_199 = arith.constant 6 : i32
      %swap3A_200 = arith.index_cast %swap3A_199 : i32 to index
      %swap3A_201 = arith.index_cast %mul3A_113 : i32 to index
      %swap3A_202 = tpu.vector_load %arg8[%swap3A_200, %swap3A_201] {strides = array<i32>} : memref<16x4096xf32, #tpu.memory_space<vmem>>, vector<16xf32>,
      tpu.vector_store %arg8[%swap3A_200, %swap3A_201], %add3A_198 {strides = array<i32>} : memref<16x4096xf32, #tpu.memory_space<vmem>>, vector<16xf32>,
      %get3A_203 = arith.constant 7 : i32
      %get3A_204 = arith.index_cast %get3A_203 : i32 to index
      %get3A_205 = arith.index_cast %mul3A_113 : i32 to index
      %get3A_206 = tpu.vector_load %arg8[%get3A_204, %get3A_205] {strides = array<i32>} : memref<16x4096xf32, #tpu.memory_space<vmem>>, vector<16xf32>,
      %get3A_207 = arith.constant 15 : i32
      %get3A_208 = arith.index_cast %get3A_207 : i32 to index
      %get3A_209 = arith.index_cast %mul3A_113 : i32 to index
      %get3A_210 = tpu.vector_load %arg8[%get3A_208, %get3A_209] {strides = array<i32>} : memref<16x4096xf32, #tpu.memory_space<vmem>>, vector<16xf32>,
      %add3A_211 = arith.addf %get3A_206, %get3A_210 : vector<16xf32>
      %swap3A_212 = arith.constant 7 : i32
      %swap3A_213 = arith.index_cast %swap3A_212 : i32 to index
      %swap3A_214 = arith.index_cast %mul3A_113 : i32 to index
      %swap3A_215 = tpu.vector_load %arg8[%swap3A_213, %swap3A_214] {strides = array<i32>} : memref<16x4096xf32, #tpu.memory_space<vmem>>, vector<16xf32>,
      tpu.vector_store %arg8[%swap3A_213, %swap3A_214], %add3A_211 {strides = array<i32>} : memref<16x4096xf32, #tpu.memory_space<vmem>>, vector<16xf32>,
    }
    %scan3A_108 = arith.constant 256 : i32
    %mul3A_109 = arith.constant 8 : i32
    %mul3A_110 = arith.muli %add3A, %mul3A_109 : i32
    "tpu.region"() ({
      %run_scoped3A = tpu.sem_alloc : memref<!tpu.dma_semaphore, #tpu.memory_space<semaphore_mem>>
      %dma_start3A = arith.constant 0 : i32
      %dma_start3A_111 = arith.constant 0 : i32
      %dma_start3A_112 = tpu.memref_slice %arg8[%dma_start3A, %dma_start3A_111] : memref<16x4096xf32, #tpu.memory_space<vmem>> -> memref<8x4096xf32, #tpu.memory_space<vmem>>
      %dma_start3A_113 = arith.constant 0 : i32
      %dma_start3A_114 = tpu.memref_slice %arg6[%mul3A_110, %dma_start3A_113] : memref<256x4096xf32, #tpu.memory_space<hbm>> -> memref<8x4096xf32, #tpu.memory_space<hbm>>
      %dma_start3A_115 = arith.constant 0 : i32
      %dma_start3A_116 = tpu.memref_slice %arg6[%mul3A_110, %dma_start3A_115] : memref<256x4096xf32, #tpu.memory_space<hbm>> -> memref<8x4096xf32, #tpu.memory_space<hbm>>
      %dma_start3A_117 = arith.constant 0 : i32
      %dma_start3A_118 = arith.constant 0 : i32
      %dma_start3A_119 = tpu.memref_slice %arg8[%dma_start3A_117, %dma_start3A_118] : memref<16x4096xf32, #tpu.memory_space<vmem>> -> memref<8x4096xf32, #tpu.memory_space<vmem>>
      tpu.enqueue_dma source(%dma_start3A_119 : memref<8x4096xf32, #tpu.memory_space<vmem>>) target(%dma_start3A_116 : memref<8x4096xf32, #tpu.memory_space<hbm>>) target_semaphore(%run_scoped3A : memref<!tpu.dma_semaphore, #tpu.memory_space<semaphore_mem>>)
      %dma_wait3A = arith.constant 0 : i32
      %dma_wait3A_120 = arith.constant 0 : i32
      %dma_wait3A_121 = tpu.memref_slice %arg8[%dma_wait3A, %dma_wait3A_120] : memref<16x4096xf32, #tpu.memory_space<vmem>> -> memref<8x4096xf32, #tpu.memory_space<vmem>>
      %dma_wait3A_122 = arith.constant 0 : i32
      %dma_wait3A_123 = tpu.memref_slice %arg6[%mul3A_110, %dma_wait3A_122] : memref<256x4096xf32, #tpu.memory_space<hbm>> -> memref<8x4096xf32, #tpu.memory_space<hbm>>
      %dma_wait3A_124 = arith.constant 0 : i32
      %dma_wait3A_125 = tpu.memref_slice %arg6[%mul3A_110, %dma_wait3A_124] : memref<256x4096xf32, #tpu.memory_space<hbm>> -> memref<8x4096xf32, #tpu.memory_space<hbm>>
      %dma_wait3A_126 = arith.constant 0 : i32
      %dma_wait3A_127 = arith.constant 0 : i32
      %dma_wait3A_128 = tpu.memref_slice %arg8[%dma_wait3A_126, %dma_wait3A_127] : memref<16x4096xf32, #tpu.memory_space<vmem>> -> memref<8x4096xf32, #tpu.memory_space<vmem>>
      tpu.wait_dma2 semaphore(%run_scoped3A : memref<!tpu.dma_semaphore, #tpu.memory_space<semaphore_mem>>) src(%dma_wait3A_128 : memref<8x4096xf32, #tpu.memory_space<vmem>>) dst(%dma_wait3A_125 : memref<8x4096xf32, #tpu.memory_space<hbm>>)
      tpu.yield
    }) : () -> ()
    return
  }
}

module attributes {stable_mosaic.version = 14 : i64} {
  func.func @_mm_t_body(%arg0: i32, %arg1: memref<256x4096xf32, #tpu.memory_space<vmem>>, %arg2: memref<256x4096xf32, #tpu.memory_space<vmem>>, %arg3: memref<256x256xf32, #tpu.memory_space<vmem>>) attributes {dimension_semantics = [#tpu.dimension_semantics<arbitrary>], iteration_bounds = array<i64: 16>, scalar_prefetch = 0 : i64, scratch_operands = 0 : i64, tpu.core_type = #tpu.core_type<tc>, window_params = [{pipeline_mode = #tpu.pipeline_mode<synchronous>, transform_indices = @transform_0, window_bounds = array<i64: 256, 4096>}, {transform_indices = @transform_1, window_bounds = array<i64: 256, 4096>}, {transform_indices = @transform_2, window_bounds = array<i64: 256, 256>}]} {
    %get3A = arith.constant 0 : index
    %get3A_0 = arith.constant 0 : index
    %get3A_1 = vector.load %arg1[%get3A, %get3A_0] : memref<256x4096xf32, #tpu.memory_space<vmem>>, vector<256x4096xf32>
    %get3A_2 = arith.constant 0 : index
    %get3A_3 = arith.constant 0 : index
    %get3A_4 = vector.load %arg2[%get3A_2, %get3A_3] : memref<256x4096xf32, #tpu.memory_space<vmem>>, vector<256x4096xf32>
    %dot_general3A = arith.constant dense<0.000000e+00> : vector<256x256xf32>
    %dot_general3A_5 = tpu.matmul %get3A_1, %get3A_4, %dot_general3A {dimension_numbers = #tpu.dot_dimension_numbers<[1], [1], [0], [0], [0, 0, 1, 0], [], []>, transpose_lhs_hint = false} : vector<256x4096xf32>, vector<256x4096xf32>, vector<256x256xf32> -> vector<256x256xf32>
    %swap3A = arith.constant 0 : index
    %swap3A_6 = arith.constant 0 : index
    %swap3A_7 = vector.load %arg3[%swap3A, %swap3A_6] : memref<256x256xf32, #tpu.memory_space<vmem>>, vector<256x256xf32>
    tpu.vector_store %arg3[%swap3A, %swap3A_6], %dot_general3A_5 {strides = array<i32>} : memref<256x256xf32, #tpu.memory_space<vmem>>, vector<256x256xf32>,
    return
  }
  func.func @transform_0(%arg0: i32) -> (i32, i32) {
    %c0_i32 = arith.constant 0 : i32
    %c0_i32_0 = arith.constant 0 : i32
    %c0_i32_1 = arith.constant 0 : i32
    return %c0_i32, %c0_i32_0 : i32, i32
  }
  func.func @transform_1(%arg0: i32) -> (i32, i32) {
    %c0_i32 = arith.constant 0 : i32
    %c0_i32_0 = arith.constant 0 : i32
    return %arg0, %c0_i32 : i32, i32
  }
  func.func @transform_2(%arg0: i32) -> (i32, i32) {
    %c0_i32 = arith.constant 0 : i32
    %c0_i32_0 = arith.constant 0 : i32
    return %c0_i32, %arg0 : i32, i32
  }
}

module attributes {stable_mosaic.version = 14 : i64} {
  func.func @_stage_b_body(%arg0: i32, %arg1: memref<256x4096xf32, #tpu.memory_space<vmem>>, %arg2: memref<256x4096xf32, #tpu.memory_space<vmem>>, %arg3: memref<256x256xf32, #tpu.memory_space<vmem>>, %arg4: memref<32x256xf32, #tpu.memory_space<vmem>>, %arg5: memref<256x256xf32, #tpu.memory_space<vmem>>, %arg6: memref<256x256xf32, #tpu.memory_space<vmem>>, %arg7: memref<256x256xf32, #tpu.memory_space<vmem>>) attributes {dimension_semantics = [#tpu.dimension_semantics<arbitrary>], iteration_bounds = array<i64: 16>, scalar_prefetch = 0 : i64, scratch_operands = 0 : i64, tpu.core_type = #tpu.core_type<tc>, window_params = [{transform_indices = @transform_0, window_bounds = array<i64: 256, 4096>}, {pipeline_mode = #tpu.pipeline_mode<synchronous>, transform_indices = @transform_1, window_bounds = array<i64: 256, 4096>}, {transform_indices = @transform_2, window_bounds = array<i64: 256, 256>}, {transform_indices = @transform_3, window_bounds = array<i64: 32, 256>}, {pipeline_mode = #tpu.pipeline_mode<synchronous>, transform_indices = @transform_4, window_bounds = array<i64: 256, 256>}, {pipeline_mode = #tpu.pipeline_mode<synchronous>, transform_indices = @transform_5, window_bounds = array<i64: 256, 256>}, {transform_indices = @transform_6, window_bounds = array<i64: 256, 256>}]} {
    %get3A = arith.constant 0 : index
    %get3A_0 = arith.constant 0 : index
    %get3A_1 = vector.load %arg2[%get3A, %get3A_0] : memref<256x4096xf32, #tpu.memory_space<vmem>>, vector<256x4096xf32>
    %mul3A = arith.constant 256 : i32
    %mul3A_2 = arith.muli %arg0, %mul3A : i32
    %get3A_3 = arith.constant 0 : index
    %get3A_4 = arith.index_cast %mul3A_2 : i32 to index
    %get3A_5 = vector.load %arg2[%get3A_3, %get3A_4] : memref<256x4096xf32, #tpu.memory_space<vmem>>, vector<256x256xf32>
    %get3A_6 = arith.constant 0 : index
    %get3A_7 = arith.constant 0 : index
    %get3A_8 = vector.load %arg1[%get3A_6, %get3A_7] : memref<256x4096xf32, #tpu.memory_space<vmem>>, vector<256x4096xf32>
    %dot_general3A = arith.constant dense<0.000000e+00> : vector<256x256xf32>
    %dot_general3A_9 = tpu.matmul %get3A_1, %get3A_8, %dot_general3A {dimension_numbers = #tpu.dot_dimension_numbers<[1], [1], [0], [0], [0, 0, 1, 0], [], []>, transpose_lhs_hint = false} : vector<256x4096xf32>, vector<256x4096xf32>, vector<256x256xf32> -> vector<256x256xf32>
    %get3A_10 = arith.constant 0 : index
    %get3A_11 = arith.constant 0 : index
    %get3A_12 = vector.load %arg5[%get3A_10, %get3A_11] : memref<256x256xf32, #tpu.memory_space<vmem>>, vector<256x256xf32>
    %get3A_13 = arith.constant 0 : index
    %get3A_14 = arith.constant 0 : index
    %get3A_15 = vector.load %arg3[%get3A_13, %get3A_14] : memref<256x256xf32, #tpu.memory_space<vmem>>, vector<256x256xf32>
    %add3A = arith.addf %get3A_15, %get3A_5 : vector<256x256xf32>
    %dot_general3A_16 = arith.constant dense<0.000000e+00> : vector<256x256xf32>
    %dot_general3A_17 = tpu.matmul %get3A_12, %add3A, %dot_general3A_16 {dimension_numbers = #tpu.dot_dimension_numbers<[1], [0], [0], [1], [0, 0, 1, 1], [], []>, transpose_lhs_hint = false} : vector<256x256xf32>, vector<256x256xf32>, vector<256x256xf32> -> vector<256x256xf32>
    %get3A_18 = arith.constant 0 : index
    %get3A_19 = arith.constant 0 : index
    %get3A_20 = vector.load %arg6[%get3A_18, %get3A_19] : memref<256x256xf32, #tpu.memory_space<vmem>>, vector<256x256xf32>
    %dot_general3A_21 = arith.constant dense<0.000000e+00> : vector<256x256xf32>
    %dot_general3A_22 = tpu.matmul %get3A_20, %dot_general3A_9, %dot_general3A_21 {dimension_numbers = #tpu.dot_dimension_numbers<[1], [0], [0], [1], [0, 0, 1, 1], [], []>, transpose_lhs_hint = false} : vector<256x256xf32>, vector<256x256xf32>, vector<256x256xf32> -> vector<256x256xf32>
    %add3A_23 = arith.addf %dot_general3A_17, %dot_general3A_22 : vector<256x256xf32>
    %get3A_24 = arith.constant 0 : index
    %get3A_25 = arith.constant 0 : index
    %get3A_26 = vector.load %arg4[%get3A_24, %get3A_25] : memref<32x256xf32, #tpu.memory_space<vmem>>, vector<32x256xf32>
    %reduce_sum3A = arith.constant dense<0.000000e+00> : vector<256xf32>
    %reduce_sum3A_27 = vector.multi_reduction <add>, %get3A_26, %reduce_sum3A [0] : vector<32x256xf32> to vector<256xf32>
    %broadcast_in_dim3A = vector.shape_cast %reduce_sum3A_27 : vector<256xf32> to vector<1x256xf32>
    %add3A_28 = arith.constant 1.000000e+00 : f32
    %add3A_29 = vector.broadcast %add3A_28 : f32 to vector<1x256xf32>
    %add3A_30 = arith.addf %broadcast_in_dim3A, %add3A_29 : vector<1x256xf32>
    %rsqrt3A = math.rsqrt %add3A_30 : vector<1x256xf32>
    %iota3A = tpu.iota {dimensions = array<i32: 0>} : vector<256x256xi32>
    %iota3A_31 = tpu.iota {dimensions = array<i32: 1>} : vector<256x256xi32>
    %eq3A = arith.cmpi eq, %iota3A, %iota3A_31 : vector<256x256xi32>
    %broadcast_in_dim3A_32 = vector.shape_cast %rsqrt3A : vector<1x256xf32> to vector<1x256xf32>
    %broadcast_in_dim3A_33 = vector.broadcast %broadcast_in_dim3A_32 : vector<1x256xf32> to vector<256x256xf32>
    %jit3A = arith.constant 0.000000e+00 : f32
    %broadcast_in_dim3A_34 = vector.broadcast %jit3A : f32 to vector<256x256xf32>
    %select_n3A = arith.select %eq3A, %broadcast_in_dim3A_33, %broadcast_in_dim3A_34 : vector<256x256xi1>, vector<256x256xf32>
    %dot_general3A_35 = arith.constant dense<0.000000e+00> : vector<256x256xf32>
    %dot_general3A_36 = tpu.matmul %add3A_23, %select_n3A, %dot_general3A_35 {dimension_numbers = #tpu.dot_dimension_numbers<[1], [0], [0], [1], [0, 0, 1, 1], [], []>, transpose_lhs_hint = false} : vector<256x256xf32>, vector<256x256xf32>, vector<256x256xf32> -> vector<256x256xf32>
    %swap3A = arith.constant 0 : index
    %swap3A_37 = arith.constant 0 : index
    %swap3A_38 = vector.load %arg7[%swap3A, %swap3A_37] : memref<256x256xf32, #tpu.memory_space<vmem>>, vector<256x256xf32>
    tpu.vector_store %arg7[%swap3A, %swap3A_37], %dot_general3A_36 {strides = array<i32>} : memref<256x256xf32, #tpu.memory_space<vmem>>, vector<256x256xf32>,
    return
  }
  func.func @transform_0(%arg0: i32) -> (i32, i32) {
    %c0_i32 = arith.constant 0 : i32
    %c0_i32_0 = arith.constant 0 : i32
    return %arg0, %c0_i32 : i32, i32
  }
  func.func @transform_1(%arg0: i32) -> (i32, i32) {
    %c0_i32 = arith.constant 0 : i32
    %c0_i32_0 = arith.constant 0 : i32
    %c0_i32_1 = arith.constant 0 : i32
    return %c0_i32, %c0_i32_0 : i32, i32
  }
  func.func @transform_2(%arg0: i32) -> (i32, i32) {
    %c0_i32 = arith.constant 0 : i32
    %c0_i32_0 = arith.constant 0 : i32
    return %c0_i32, %arg0 : i32, i32
  }
  func.func @transform_3(%arg0: i32) -> (i32, i32) {
    %c0_i32 = arith.constant 0 : i32
    %c0_i32_0 = arith.constant 0 : i32
    return %c0_i32, %arg0 : i32, i32
  }
  func.func @transform_4(%arg0: i32) -> (i32, i32) {
    %c0_i32 = arith.constant 0 : i32
    %c0_i32_0 = arith.constant 0 : i32
    %c0_i32_1 = arith.constant 0 : i32
    return %c0_i32, %c0_i32_0 : i32, i32
  }
  func.func @transform_5(%arg0: i32) -> (i32, i32) {
    %c0_i32 = arith.constant 0 : i32
    %c0_i32_0 = arith.constant 0 : i32
    %c0_i32_1 = arith.constant 0 : i32
    return %c0_i32, %c0_i32_0 : i32, i32
  }
  func.func @transform_6(%arg0: i32) -> (i32, i32) {
    %c0_i32 = arith.constant 0 : i32
    %c0_i32_0 = arith.constant 0 : i32
    return %c0_i32, %arg0 : i32, i32
  }
}

module attributes {stable_mosaic.version = 14 : i64} {
  func.func @_combine_body(%arg0: i32, %arg1: memref<256x256xf32, #tpu.memory_space<vmem>>, %arg2: memref<256x256xf32, #tpu.memory_space<vmem>>, %arg3: memref<32x256xf32, #tpu.memory_space<vmem>>, %arg4: memref<1x256xf32, #tpu.memory_space<vmem>>, %arg5: memref<256x256xf32, #tpu.memory_space<vmem>>) attributes {dimension_semantics = [#tpu.dimension_semantics<arbitrary>], iteration_bounds = array<i64: 16>, scalar_prefetch = 0 : i64, scratch_operands = 0 : i64, tpu.core_type = #tpu.core_type<tc>, window_params = [{transform_indices = @transform_0, window_bounds = array<i64: 256, 256>}, {transform_indices = @transform_1, window_bounds = array<i64: 256, 256>}, {transform_indices = @transform_2, window_bounds = array<i64: 32, 256>}, {pipeline_mode = #tpu.pipeline_mode<synchronous>, transform_indices = @transform_3, window_bounds = array<i64: 1, 256>}, {transform_indices = @transform_4, window_bounds = array<i64: 256, 256>}]} {
    %get3A = arith.constant 0 : index
    %get3A_0 = arith.constant 0 : index
    %get3A_1 = vector.load %arg1[%get3A, %get3A_0] : memref<256x256xf32, #tpu.memory_space<vmem>>, vector<256x256xf32>
    %get3A_2 = arith.constant 0 : index
    %get3A_3 = arith.constant 0 : index
    %get3A_4 = vector.load %arg2[%get3A_2, %get3A_3] : memref<256x256xf32, #tpu.memory_space<vmem>>, vector<256x256xf32>
    %add3A = arith.addf %get3A_1, %get3A_4 : vector<256x256xf32>
    %get3A_5 = arith.constant 0 : index
    %get3A_6 = arith.constant 0 : index
    %get3A_7 = vector.load %arg3[%get3A_5, %get3A_6] : memref<32x256xf32, #tpu.memory_space<vmem>>, vector<32x256xf32>
    %reduce_sum3A = arith.constant dense<0.000000e+00> : vector<256xf32>
    %reduce_sum3A_8 = vector.multi_reduction <add>, %get3A_7, %reduce_sum3A [0] : vector<32x256xf32> to vector<256xf32>
    %broadcast_in_dim3A = vector.shape_cast %reduce_sum3A_8 : vector<256xf32> to vector<1x256xf32>
    %add3A_9 = arith.constant 1.000000e+00 : f32
    %add3A_10 = vector.broadcast %add3A_9 : f32 to vector<1x256xf32>
    %add3A_11 = arith.addf %broadcast_in_dim3A, %add3A_10 : vector<1x256xf32>
    %rsqrt3A = math.rsqrt %add3A_11 : vector<1x256xf32>
    %iota3A = tpu.iota {dimensions = array<i32: 0>} : vector<256x256xi32>
    %iota3A_12 = tpu.iota {dimensions = array<i32: 1>} : vector<256x256xi32>
    %eq3A = arith.cmpi eq, %iota3A, %iota3A_12 : vector<256x256xi32>
    %broadcast_in_dim3A_13 = vector.shape_cast %rsqrt3A : vector<1x256xf32> to vector<1x256xf32>
    %broadcast_in_dim3A_14 = vector.broadcast %broadcast_in_dim3A_13 : vector<1x256xf32> to vector<256x256xf32>
    %jit3A = arith.constant 0.000000e+00 : f32
    %broadcast_in_dim3A_15 = vector.broadcast %jit3A : f32 to vector<256x256xf32>
    %select_n3A = arith.select %eq3A, %broadcast_in_dim3A_14, %broadcast_in_dim3A_15 : vector<256x256xi1>, vector<256x256xf32>
    %dot_general3A = arith.constant dense<0.000000e+00> : vector<256x256xf32>
    %dot_general3A_16 = tpu.matmul %add3A, %select_n3A, %dot_general3A {dimension_numbers = #tpu.dot_dimension_numbers<[1], [0], [0], [1], [0, 0, 1, 1], [], []>, transpose_lhs_hint = false} : vector<256x256xf32>, vector<256x256xf32>, vector<256x256xf32> -> vector<256x256xf32>
    %transpose3A = tpu.transpose %dot_general3A_16, [1, 0] : vector<256x256xf32> -> vector<256x256xf32>
    %get3A_17 = arith.constant 0 : index
    %get3A_18 = arith.constant 0 : index
    %get3A_19 = vector.load %arg4[%get3A_17, %get3A_18] : memref<1x256xf32, #tpu.memory_space<vmem>>, vector<1x256xf32>
    %add3A_20 = vector.broadcast %get3A_19 : vector<1x256xf32> to vector<256x256xf32>
    %add3A_21 = arith.addf %transpose3A, %add3A_20 : vector<256x256xf32>
    %swap3A = arith.constant 0 : index
    %swap3A_22 = arith.constant 0 : index
    %swap3A_23 = vector.load %arg5[%swap3A, %swap3A_22] : memref<256x256xf32, #tpu.memory_space<vmem>>, vector<256x256xf32>
    tpu.vector_store %arg5[%swap3A, %swap3A_22], %add3A_21 {strides = array<i32>} : memref<256x256xf32, #tpu.memory_space<vmem>>, vector<256x256xf32>,
    return
  }
  func.func @transform_0(%arg0: i32) -> (i32, i32) {
    %c0_i32 = arith.constant 0 : i32
    %c0_i32_0 = arith.constant 0 : i32
    return %c0_i32, %arg0 : i32, i32
  }
  func.func @transform_1(%arg0: i32) -> (i32, i32) {
    %c0_i32 = arith.constant 0 : i32
    %c0_i32_0 = arith.constant 0 : i32
    return %c0_i32, %arg0 : i32, i32
  }
  func.func @transform_2(%arg0: i32) -> (i32, i32) {
    %c0_i32 = arith.constant 0 : i32
    %c0_i32_0 = arith.constant 0 : i32
    return %c0_i32, %arg0 : i32, i32
  }
  func.func @transform_3(%arg0: i32) -> (i32, i32) {
    %c0_i32 = arith.constant 0 : i32
    %c0_i32_0 = arith.constant 0 : i32
    %c0_i32_1 = arith.constant 0 : i32
    return %c0_i32, %c0_i32_0 : i32, i32
  }
  func.func @transform_4(%arg0: i32) -> (i32, i32) {
    %c0_i32 = arith.constant 0 : i32
    %c0_i32_0 = arith.constant 0 : i32
    return %arg0, %c0_i32 : i32, i32
  }
}

</mosaic_0001>

<sc_bundles>
// kernel: kernel.10.cloned.1.call-start
scs
__scs_entry_jumppad:
0x0: {  	(pc) =	sbr.rel $0x88, $3  }
0x1: {  	(tag) =	ssettag $0x0;
	lr =	simm.s32 $0x1  }
0x2: {  	[smem:$0x3F9C] =	sst lr;
	_ =	strace $0xD0000000  }
0x3: {  	_ = 	snop  }
0x4: {  	_ = 	snop  }
0x5: {  	_ = 	snop  }
0x6: {  	_ = 	snop  }
0x7: {  	_ = 	snop  }
__scs_overlays_trampoline_lowered:
0x8: {  	[smem:$0x3FAB] =	sst s0  }
0x9: {  	[smem:$0x3FAC] =	sst s1  }
0xa: {  	[smem:$0x3FAD] =	sst s2  }
0xb: {  	[smem:$0x3FAE] =	sst s3  }
0xc: {  	[smem:$0x3FAF] =	sst s4  }
0xd: {  	[smem:$0x3FB0] =	sst s5  }
0xe: {  	[smem:$0x3FB1] =	sst s6  }
0xf: {  	[smem:$0x3FB2] =	sst s7  }
0x10: {  	[smem:$0x3FB3] =	sst s8  }
0x11: {  	[smem:$0x3FB4] =	sst s9;
	s0 =	simm.s32 @!p0 $0x0  }
0x12: {  	s1 =	sld [smem:$0x3F9A];
	s0 =	simm.s32 @p0 $0x1  }
0x13: {  	[smem:$0x3FB5] =	sst s0;
	s0 =	simm.s32 @!p1 $0x0  }
0x14: {  	s2 =	sld [smem:$0x3F99];
	s0 =	simm.s32 @p1 $0x1  }
0x15: {  	[smem:$0x3FB6] =	sst s0;
	s0 =	simm.s32 @!p2 $0x0  }
0x16: {  	s3 =	sld [smem:$0x3FDB];
	s0 =	simm.s32 @p2 $0x1  }
0x17: {  	s4 =	simm.s32 $0x1BF5;
	[smem:$0x3FB8] =	sst s0  }
0x18: {  	s0 =	sld [smem:$0x3F9B];
	_ =	swait.ge [sflag:s4], $0x0  }
0x19: {  	s7 =	sld [smem:$0x3F9C]  }
0x1a: {  	s8 =	sadd.s32 $0xFFFFE003, lr  }
0x1b: {  	s9 =	sadd.s32 $0xFFFFFEF7, lr;
	s5 =	simm.s32 $0xFFFFFFFF;
	p2 =	slt.u32 s8, $0xFFFFF086  }
0x1c: {  	p1 =	slt.u32 s9, $0xF7A;
	s5 =	simm.s32 @!p2 $0x0  }
0x1d: {  	s5 =	simm.s32 @p1 $0x1;
	p0 =	seq.s32 s7, s2  }
0x1e: {  	s7 =	smul.u32 @!p0 $0xF7A, s2;
	p2 =	seq.s32 @!p0 s5, $0x0  }
0x1f: {  	s9 =	smul.u32 $0xF7A, s1;
	s8 =	simm.s32 @!p0 $0x1BF5;
	p2 =	por !p2, p0  }
0x20: {  	[sflag:s8] =	ssyncset.s32 @!p0 $0xFFFFF086;
	s6 =	sadd.s32 @!p0 s3, s7;
	s7 =	simm.s32 @!p0 $0x108  }
0x21: {  	s3 =	sadd.s32 s3, s9;
	s6 =	sadd.s32 @!p0 $0x88, s6;
	s7 =	simm.s32 @p2 $0x1082  }
0x22: {  	[simem:s7], [sflag:s8] =	dma.local @!p0 [hbm:s6], $0xF7A  }
0x23: {  	s9 =	sor.u32 $0xD0000000, s2;
	s6 =	simm.s32 $0x108;
	_ =	swait.ge @!p0 [sflag:s8], $0x0  }
0x24: {  	s3 =	sadd.s32 $0x88, s3;
	s6 =	simm.s32 @!p1 $0x1082;
	[sflag:s4] =	ssyncset.s32 $0xFFFFF086  }
0x25: {  	[simem:s6], [sflag:s4] =	dma.local [hbm:s3], $0xF7A  }
0x26: {  	[smem:$0x3F9C] =	sst s1;
	(tag) =	ssettag s2;
	_ =	strace s9  }
0x27: {  	s1 =	sld [smem:$0x3FAC]  }
0x28: {  	s2 =	sld [smem:$0x3FAD]  }
0x29: {  	s4 =	sld [smem:$0x3FAF]  }
0x2a: {  	p0 =	seq.s32 s5, $0x0;
	s5 =	sld [smem:$0x3FB0]  }
0x2b: {  	s6 =	sld [smem:$0x3FB1]  }
0x2c: {  	s7 =	sld [smem:$0x3FB2]  }
0x2d: {  	s3 =	simm.s32 $0x108;
	s8 =	sld [smem:$0x3FB3]  }
0x2e: {  	s3 =	simm.s32 @!p0 $0x1082;
	s9 =	sld [smem:$0x3FB4]  }
0x2f: {  	lr =	sadd.s32 s0, s3;
	s0 =	sld [smem:$0x3FAB]  }
0x30: {  	s3 =	sld [smem:$0x3FAE]  }
0x31: {  	[smem:$0x3FB7] =	sst s10  }
0x32: {  	s10 =	sld [smem:$0x3FB5];
	_ =	sdelay $0x3  }
0x33: {  	p0 =	seq.s32 s10, $0x1;
	s10 =	sld [smem:$0x3FB7];
	_ =	sdelay $0x3  }
0x34: {  	[smem:$0x3FB7] =	sst s10  }
0x35: {  	s10 =	sld [smem:$0x3FB6];
	_ =	sdelay $0x3  }
0x36: {  	p1 =	seq.s32 s10, $0x1;
	s10 =	sld [smem:$0x3FB7];
	_ =	sdelay $0x3  }
0x37: {  	[smem:$0x3FB7] =	sst s10  }
0x38: {  	s10 =	sld [smem:$0x3FB8]  }
0x39: {  	_ = 	snop;
	(pc) =	sbr.ind lr, $3  }
0x3a: {  	_ = 	snop  }
0x3b: {  	_ = 	snop  }
0x3c: {  	p2 =	seq.s32 s10, $0x1;
	s10 =	sld [smem:$0x3FB7]  }
0x3d: {  	_ =	shalt  }
0x3e: {  	_ =	shalt  }
0x3f: {  	_ =	shalt  }
0x40: {  	_ =	shalt  }
0x41: {  	_ =	shalt  }
0x42: {  	_ =	shalt  }
0x43: {  	_ =	shalt  }
0x44: {  	_ =	shalt  }
0x45: {  	_ =	shalt  }
0x46: {  	_ =	shalt  }
0x47: {  	_ =	shalt  }
0x48: {  	_ =	shalt  }
0x49: {  	_ =	shalt  }
0x4a: {  	_ =	shalt  }
0x4b: {  	_ =	shalt  }
0x4c: {  	_ =	shalt  }
0x4d: {  	_ =	shalt  }
0x4e: {  	_ =	shalt  }
0x4f: {  	_ =	shalt  }
0x50: {  	_ =	shalt  }
0x51: {  	_ =	shalt  }
0x52: {  	_ =	shalt  }
0x53: {  	_ =	shalt  }
0x54: {  	_ =	shalt  }
0x55: {  	_ =	shalt  }
0x56: {  	_ =	shalt  }
0x57: {  	_ =	shalt  }
0x58: {  	_ =	shalt  }
0x59: {  	_ =	shalt  }
0x5a: {  	_ =	shalt  }
0x5b: {  	_ =	shalt  }
0x5c: {  	_ =	shalt  }
0x5d: {  	_ =	shalt  }
0x5e: {  	_ =	shalt  }
0x5f: {  	_ =	shalt  }
0x60: {  	_ =	shalt  }
0x61: {  	_ =	shalt  }
0x62: {  	_ =	shalt  }
0x63: {  	_ =	shalt  }
0x64: {  	_ =	shalt  }
0x65: {  	_ =	shalt  }
0x66: {  	_ =	shalt  }
0x67: {  	_ =	shalt  }
0x68: {  	_ =	shalt  }
0x69: {  	_ =	shalt  }
0x6a: {  	_ =	shalt  }
0x6b: {  	_ =	shalt  }
0x6c: {  	_ =	shalt  }
0x6d: {  	_ =	shalt  }
0x6e: {  	_ =	shalt  }
0x6f: {  	_ =	shalt  }
0x70: {  	_ =	shalt  }
0x71: {  	_ =	shalt  }
0x72: {  	_ =	shalt  }
0x73: {  	_ =	shalt  }
0x74: {  	_ =	shalt  }
0x75: {  	_ =	shalt  }
0x76: {  	_ =	shalt  }
0x77: {  	_ =	shalt  }
0x78: {  	_ =	shalt  }
0x79: {  	_ =	shalt  }
0x7a: {  	_ =	shalt  }
0x7b: {  	_ =	shalt  }
0x7c: {  	_ =	shalt  }
0x7d: {  	_ =	shalt  }
0x7e: {  	_ =	shalt  }
0x7f: {  	_ =	shalt  }
0x80: {  	_ =	shalt  }
0x81: {  	_ =	shalt  }
0x82: {  	_ =	shalt  }
0x83: {  	_ =	shalt  }
0x84: {  	_ =	shalt  }
0x85: {  	_ =	shalt  }
0x86: {  	_ =	shalt  }
0x87: {  	_ =	shalt  }
.Lfunc_end0:
.L_simem_size_0:
called_computation.1_lowered:
.L_overlay_start_0:
0x88: {  	s2 =	sld [smem:$0x3FD9]  }
0x89: {  	s3 =	sld [smem:$0x3FFE];
	_ =	sdelay $0x1  }
0x8a: {  	s1 =	srdreg.scid  }
0x8b: {  	s0 =	sand.u32 $0x1, s1  }
0x8c: {  	s17 =	sshll.u32 s0, $0xA;
	s2 =	sadd.s32 s3, s2  }
0x8d: {  	s2 =	sadd.s32 s2, s17  }
0x8e: {  	[smem:$0x3FC3] =	sst s2  }
0x8f: {  	_ = 	snop  }
0x90: {  	s2 =	sld [smem:$0x3FD0];
	(tm) =	ssettm $0x1  }
0x91: {  	s18 =	sld [smem:$0x3FFB];
	_ =	sdelay $0x3  }
0x92: {  	_ =	strace s18  }
0x93: {  	s3 =	sld [smem:$0x3FFC];
	_ =	sdelay $0x3  }
0x94: {  	_ =	strace s3  }
0x95: {  	s3 =	sld [smem:$0x3FFD];
	_ =	sdelay $0x3  }
0x96: {  	_ =	strace s3  }
0x97: {  	_ =	strace $0x8FFFFFFF  }
0x98: {  	s19 =	sld [smem:$0x3FDB];
	_ =	sdelay $0x1  }
0x99: {  	s4 =	simm.s32 $_scs_section_size  }
0x9a: {  	s5 =	simm.s32 $_size__tile_overlayer_lowered;
	s6 =	simm.s32 $_tile_overlayer_lowered  }
0x9b: {  	s22 =	simm.s32 $0x1BFF;
	s21 =	sshll.u32 s6, $0x1;
	s3 =	sadd.s32 s4, s19  }
0x9c: {  	s7 =	simm.s32 $0x0;
	s20 =	sshll.u32 s5, $0x1;
	s5 =	sadd.s32 s21, s3  }
0x9d: {  	[timem:s7], [sflag:s22] =	dma.local [hbm:s5], s20  }
0x9e: {  	_ =	swait.ge [sflag:s22], s20  }
0x9f: {  	s4 =	ssub.s32 $0x0, s20;
	[sflag:s22] =	ssyncset.done $0x0  }
0xa0: {  	[sflag:s22] =	ssyncadd.s32 s4;
	_ =	sdelay $0x1  }
0xa1: {  	s23 =	simm.s32 $0x1B8B  }
0xa2: {  	_ =	swait.ge [sflag:s23], $0x1  }
0xa3: {  	[sflag:s23] =	ssyncset.done $0x0  }
0xa4: {  	s25 =	simm.s32 $0x1B8E;
	s24 =	sld [smem:$0x3FFE];
	[sflag:s23] =	ssyncadd.s32 $0xFFFFFFFF  }
0xa5: {  	s26 =	simm.s32 $execute0_lowered;
	[smem:$0x3FD2] =	sst s25  }
0xa6: {  	s5 =	sshll.u32 s26, $0x1;
	_ =	strace $0x80000049;
	[dreg:$0x1] =	wrdreg $0xFFFFFFFF  }
0xa7: {  	s28 =	simm.s32 $_size_execute0_lowered;
	s3 =	sadd.s32 s3, s5;
	[dreg:$0x0] =	wrdreg $0x0  }
0xa8: {  	s5 =	sshll.u32 s28, $0x1;
	[dreg:$0x2] =	wrdreg s3  }
0xa9: {  	[dreg:$0x3] =	wrdreg s5  }
0xaa: {  	[dreg:$0x4] =	wrdreg $0xC0  }
0xab: {  	_ =	task [dreg:s7], $0x5FFFF  }
0xac: {  	[dreg:$0x1] =	wrdreg $0xFFFFFFFF  }
0xad: {  	[dreg:$0x0] =	wrdreg $0x60  }
0xae: {  	[dreg:$0x2] =	wrdreg s24  }
0xaf: {  	[dreg:$0x3] =	wrdreg s2  }
0xb0: {  	[dreg:$0x4] =	wrdreg $0x9  }
0xb1: {  	_ =	task.clear_ibuf [dreg:s7], $0x5FFFF;
	_ =	strace $0x90000049  }
0xb2: {  	s29 =	simm.s32 $0x9;
	_ =	strace $0x8000004B  }
0xb3: {  	_ =	swait.ge [sflag:s29], $0x1  }
0xb4: {  	[sflag:s29] =	ssyncadd.s32 $0xFFFFFFFF  }
0xb5: {  	_ =	strace $0x9000004B  }
0xb6: {  	_ =	sfence  }
0xb7: {  	s30 =	sld [smem:$0x0];
	_ =	sdelay $0x2  }
0xb8: {  	s31 =	sshll.u32 s1, $0xD;
	s1 =	sshrl.u32 s1, $0x2  }
0xb9: {  	s3 =	sand.u32 $0x4000, s31;
	s1 =	sadd.s32 s1, s30  }
0xba: {  	s0 =	sor.u32 s3, s0;
	s1 =	sshll.u32 s1, $0x11  }
0xbb: {  	s0 =	sor.u32 s1, s0  }
0xbc: {  	s0 =	sadd.s32 $0x8F2B, s0  }
0xbd: {  	[sflag:s0] =	ssyncadd.remote.s32 $0x1  }
0xbe: {  	_ =	sfence.sel $0xFFFF  }
0xbf: {  	[dreg:$0x0] =	wrdreg $0xFFFFFFFF;
	(pc) =	sbr.abs _section_cstart, $3  }
0xc0: {  	[dreg:$0x1] =	wrdreg $0xFFFFFFFF  }
0xc1: {  	_ =	task.clear_ibuf [dreg:s7], $0x2FFFF;
	_ =	strace $0x9FFFFFFF  }
0xc2: {  	(tm) =	ssettm $0x7FFFFFFF  }
0xc3: {  	_ =	shalt  }
tec
execute0_lowered:
.L_overlay_start_1:
0x0: {  	(tag) =	ssettag $0x1  }
0x1: {  	vm13 =	vcmask $0x300;
	v0 =	vimm.s32 $0x0;
	vm12 =	vcmask $0x704  }
0x2: {  	vm11 =	vcmask $0xB08;
	v1 =	vlaneseq.u32;
	vm10 =	vcmask $0xF0C  }
0x3: {  	vm9 =	vcmask $0x1310;
	vm8 =	vcmask $0x1714;
	v2 =	vimm.s32 $0x80  }
0x4: {  	vm7 =	vcmask $0x1B18;
	vm6 =	vcmask $0x2320;
	vm5 =	vcmask $0x2724  }
0x5: {  	vm3 =	vcmask $0x2B28;
	vm0 =	vcmask $0x2F2C;
	vm1 =	vcmask $0x3330  }
0x6: {  	vm2 =	vcmask $0x3734;
	vm4 =	vcmask $0x3B38;
	v4 =	vimm.s32 $0x180  }
0x7: {  	v5 =	vimm.s32 $0x200;
	v6 =	vimm.s32 $0x280;
	v8 =	vimm.s32 $0x8380  }
0x8: {  	v9 =	vimm.s32 $0x300;
	v0 =	vsel vm13, $0x80, v0;
	v1 =	vand.u32 $0x7, v1  }
0x9: {  	v2 =	vsel vm13, $0x100, v2;
	v4 =	vsel vm13, $0x200, v4;
	v5 =	vsel vm13, $0x280, v5  }
0xa: {  	v6 =	vsel vm13, $0x300, v6;
	v8 =	vsel vm13, $0x0, v8;
	v15 =	vsel vm13, $0x380, v9  }
0xb: {  	v0 =	vsel vm12, $0x100, v0;
	v4 =	vsel vm12, $0x280, v4;
	v5 =	vsel vm12, $0x300, v5  }
0xc: {  	v14 =	vsel vm12, $0x380, v6;
	v8 =	vsel vm12, $0x80, v8;
	v9 =	vsel vm12, $0x0, v15  }
0xd: {  	v15 =	vsel vm12, $0x8000, v15;
	v0 =	vsel vm11, $0x180, v0;
	v4 =	vsel vm11, $0x300, v4  }
0xe: {  	v13 =	vsel vm11, $0x380, v5;
	v6 =	vsel vm11, $0x0, v14;
	v8 =	vsel vm11, $0x100, v8  }
0xf: {  	v9 =	vsel vm11, $0x80, v9;
	v14 =	vsel vm11, $0x8000, v14;
	v15 =	vsel vm11, $0x8080, v15  }
0x10: {  	v0 =	vsel vm10, $0x200, v0;
	v12 =	vsel vm10, $0x380, v4;
	v5 =	vsel vm10, $0x0, v13  }
0x11: {  	v6 =	vsel vm10, $0x80, v6;
	v8 =	vsel vm10, $0x180, v8;
	v9 =	vsel vm10, $0x100, v9  }
0x12: {  	v13 =	vsel vm10, $0x8000, v13;
	v14 =	vsel vm10, $0x8080, v14;
	v15 =	vsel vm10, $0x8100, v15  }
0x13: {  	v0 =	vsel vm9, $0x280, v0;
	v4 =	vsel vm9, $0x0, v12;
	v5 =	vsel vm9, $0x80, v5  }
0x14: {  	v6 =	vsel vm9, $0x100, v6;
	v8 =	vsel vm9, $0x200, v8;
	v9 =	vsel vm9, $0x180, v9  }
0x15: {  	v12 =	vsel vm9, $0x8000, v12;
	v13 =	vsel vm9, $0x8080, v13;
	v14 =	vsel vm9, $0x8100, v14  }
0x16: {  	v15 =	vsel vm9, $0x8180, v15;
	v0 =	vsel vm8, $0x300, v0;
	v4 =	vsel vm8, $0x80, v4  }
0x17: {  	v5 =	vsel vm8, $0x100, v5;
	v6 =	vsel vm8, $0x180, v6;
	v8 =	vsel vm8, $0x280, v8  }
0x18: {  	v9 =	vsel vm8, $0x200, v9;
	v12 =	vsel vm8, $0x8080, v12;
	v13 =	vsel vm8, $0x8100, v13  }
0x19: {  	v14 =	vsel vm8, $0x8180, v14;
	v15 =	vsel vm8, $0x8200, v15;
	v7 =	vsel vm7, $0x380, v0  }
0x1a: {  	v0 =	vsel vm12, $0x180, v2;
	v4 =	vsel vm7, $0x100, v4;
	v5 =	vsel vm7, $0x180, v5  }
0x1b: {  	v6 =	vsel vm7, $0x200, v6;
	v8 =	vsel vm7, $0x300, v8;
	v9 =	vsel vm7, $0x280, v9  }
0x1c: {  	v12 =	vsel vm7, $0x8100, v12;
	v13 =	vsel vm7, $0x8180, v13;
	v14 =	vsel vm7, $0x8200, v14  }
0x1d: {  	v15 =	vsel vm7, $0x8280, v15;
	v2 =	vsel vm6, $0x80, v7;
	v0 =	vsel vm11, $0x200, v0  }
0x1e: {  	v4 =	vsel vm6, $0x200, v4;
	v5 =	vsel vm6, $0x280, v5;
	v6 =	vsel vm6, $0x300, v6  }
0x1f: {  	v9 =	vsel vm6, $0x380, v9;
	v2 =	vsel vm5, $0x100, v2;
	v3 =	vsel vm10, $0x280, v0  }
0x20: {  	v0 =	vmul.u32 $0x80, v1;
	v4 =	vsel vm5, $0x280, v4;
	v5 =	vsel vm5, $0x300, v5  }
0x21: {  	v6 =	vsel vm5, $0x380, v6;
	v9 =	vsel vm5, $0x0, v9;
	v1 =	vsel vm3, $0x180, v2  }
0x22: {  	v2 =	vsel vm9, $0x300, v3;
	v4 =	vsel vm3, $0x300, v4;
	v5 =	vsel vm3, $0x380, v5  }
0x23: {  	v6 =	vsel vm3, $0x0, v6;
	v9 =	vsel vm3, $0x80, v9;
	v10 =	vsel vm8, $0x380, v2  }
0x24: {  	v2 =	vimm.s32 $0x100;
	v1 =	vsel vm0, $0x200, v1;
	v4 =	vsel vm0, $0x380, v4  }
0x25: {  	v5 =	vsel vm0, $0x0, v5;
	v6 =	vsel vm0, $0x80, v6;
	v9 =	vsel vm0, $0x100, v9  }
0x26: {  	v3 =	vsel vm7, $0x0, v10;
	v2 =	vsel vm13, $0x180, v2;
	v1 =	vsel vm1, $0x280, v1  }
0x27: {  	v4 =	vsel vm1, $0x0, v4;
	v5 =	vsel vm1, $0x80, v5;
	v6 =	vsel vm1, $0x100, v6  }
0x28: {  	vm13 =	vcmask $0x1F1C;
	v9 =	vsel vm1, $0x180, v9;
	v10 =	vsel vm7, $0x8000, v10  }
0x29: {  	v3 =	vsel vm6, $0x100, v3;
	v2 =	vsel vm12, $0x200, v2;
	v1 =	vsel vm2, $0x300, v1  }
0x2a: {  	v4 =	vsel vm2, $0x80, v4;
	v5 =	vsel vm2, $0x100, v5;
	v6 =	vsel vm2, $0x180, v6  }
0x2b: {  	v8 =	vsel vm13, $0x380, v8;
	v7 =	vsel vm13, $0x8000, v7;
	v9 =	vsel vm2, $0x200, v9  }
0x2c: {  	v10 =	vsel vm13, $0x8080, v10;
	v12 =	vsel vm13, $0x8180, v12;
	v13 =	vsel vm13, $0x8200, v13  }
0x2d: {  	v14 =	vsel vm13, $0x8280, v14;
	v15 =	vsel vm13, $0x8300, v15;
	v3 =	vsel vm5, $0x180, v3  }
0x2e: {  	v2 =	vsel vm11, $0x280, v2;
	v1 =	vsel vm4, $0x380, v1;
	v4 =	vsel vm4, $0x100, v4  }
0x2f: {  	v5 =	vsel vm4, $0x180, v5;
	v6 =	vsel vm4, $0x200, v6;
	v8 =	vsel vm6, $0x8000, v8  }
0x30: {  	v7 =	vsel vm6, $0x8080, v7;
	v10 =	vsel vm6, $0x8100, v10;
	v12 =	vsel vm6, $0x8200, v12  }
0x31: {  	v13 =	vsel vm6, $0x8280, v13;
	v14 =	vsel vm6, $0x8300, v14;
	v15 =	vsel vm6, $0x8380, v15  }
0x32: {  	v3 =	vsel vm3, $0x200, v3;
	v2 =	vsel vm10, $0x300, v2;
	v8 =	vsel vm5, $0x8080, v8  }
0x33: {  	v7 =	vsel vm5, $0x8100, v7;
	v10 =	vsel vm5, $0x8180, v10;
	v12 =	vsel vm5, $0x8280, v12  }
0x34: {  	v13 =	vsel vm5, $0x8300, v13;
	v14 =	vsel vm5, $0x8380, v14;
	v15 =	vsel vm5, $0x0, v15  }
0x35: {  	v3 =	vsel vm0, $0x280, v3;
	v11 =	vsel vm9, $0x380, v2;
	v8 =	vsel vm3, $0x8100, v8  }
0x36: {  	v7 =	vsel vm3, $0x8180, v7;
	v10 =	vsel vm3, $0x8200, v10;
	v12 =	vsel vm3, $0x8300, v12  }
0x37: {  	v13 =	vsel vm3, $0x8380, v13;
	v14 =	vsel vm3, $0x0, v14;
	v15 =	vsel vm3, $0x80, v15  }
0x38: {  	v2 =	vsel vm1, $0x300, v3;
	v3 =	vsel vm8, $0x0, v11;
	v8 =	vsel vm0, $0x8180, v8  }
0x39: {  	v7 =	vsel vm0, $0x8200, v7;
	v11 =	vsel vm8, $0x8000, v11;
	v10 =	vsel vm0, $0x8280, v10  }
0x3a: {  	v12 =	vsel vm0, $0x8380, v12;
	v13 =	vsel vm0, $0x0, v13;
	v14 =	vsel vm0, $0x80, v14  }
0x3b: {  	v15 =	vsel vm0, $0x100, v15;
	v2 =	vsel vm2, $0x380, v2;
	v3 =	vsel vm7, $0x80, v3  }
0x3c: {  	v8 =	vsel vm1, $0x8200, v8;
	v7 =	vsel vm1, $0x8280, v7;
	v11 =	vsel vm7, $0x8080, v11  }
0x3d: {  	v10 =	vsel vm1, $0x8300, v10;
	v12 =	vsel vm1, $0x0, v12;
	v13 =	vsel vm1, $0x80, v13  }
0x3e: {  	s6 =	rddreg [dreg:$0x0];
	v14 =	vsel vm1, $0x100, v14;
	v15 =	vsel vm1, $0x180, v15;
	v2 =	vsel vm4, $0x0, v2  }
0x3f: {  	s7 =	rddreg [dreg:$0x1];
	v3 =	vsel vm6, $0x180, v3;
	v8 =	vsel vm2, $0x8280, v8;
	v16 =	vsel vm2, $0x8300, v7  }
0x40: {  	s0 =	rddreg [dreg:$0x2];
	v7 =	vsel vm4, $0x280, v9;
	v11 =	vsel vm13, $0x8100, v11;
	v10 =	vsel vm2, $0x8380, v10  }
0x41: {  	s1 =	simm.s32 $0x0;
	s3 =	srdreg.scid;
	s2 =	stileid.u32;
	v12 =	vsel vm2, $0x80, v12;
	v13 =	vsel vm2, $0x100, v13;
	v14 =	vsel vm2, $0x180, v14  }
0x42: {  	s11 =	simm.s32 $0x18000;
	s12 =	simm.s32 $0x1A000;
	s13 =	simm.s32 $0x0;
	v15 =	vsel vm2, $0x200, v15;
	v3 =	vsel vm5, $0x200, v3;
	v11 =	vsel vm6, $0x8180, v11  }
0x43: {  	[smem:$0x7FF] =	sst s1;
	s5 =	sand.u32 $0x1, s3;
	s3 =	sadd.s32 $0x3E00, s6;
	v8 =	vsel vm4, $0x8300, v8;
	v9 =	vsel vm4, $0x8380, v16;
	v11 =	vsel vm5, $0x8200, v11  }
0x44: {  	s9 =	sshll.u32 s2, $0xC;
	s4 =	sadd.s32 $0x1E00, s6;
	s8 =	sshll.u32 s5, $0x10;
	v10 =	vsel vm4, $0x0, v10;
	v3 =	vsel vm3, $0x280, v3;
	v11 =	vsel vm3, $0x8280, v11  }
0x45: {  	_ =	strace $0x8000004A;
	s30 =	ssub.s32 $0x2, s5;
	s8 =	sor.u32 s9, s8;
	v12 =	vsel vm4, $0x100, v12;
	v3 =	vsel vm0, $0x300, v3;
	v11 =	vsel vm0, $0x8300, v11  }
0x46: {  	s5 =	sadd.s32 $0x5E00, s6;
	s31 =	sshrl.u32 s30, $0x1;
	s10 =	sadd.s32 s8, s6;
	v13 =	vsel vm4, $0x180, v13;
	v3 =	vsel vm1, $0x380, v3;
	v11 =	vsel vm1, $0x8380, v11  }
0x47: {  	s9 =	ssub.s32 s30, s31;
	s6 =	sadd.s32 s7, s8;
	s7 =	sadd.s32 $0x7E00, s10;
	v14 =	vsel vm4, $0x200, v14;
	v3 =	vsel vm2, $0x0, v3;
	v11 =	vsel vm2, $0x0, v11  }
0x48: {  	s8 =	smax.u32 s9, $0x1;
	s9 =	simm.s32 $0x1;
	s10 =	simm.s32 $0x8000;
	v15 =	vsel vm4, $0x280, v15;
	v3 =	vsel vm4, $0x80, v3;
	v11 =	vsel vm4, $0x80, v11  }
.LBB2_1:
0x49: {  	[tilespmem:s1], [sflag:$0x1] =	stream.linear.gather [hbm4b:s6+s1], $0x8000, $0x38;
	[tilespmem:$0x1C000] =	vst v63  }
0x4a: {  	_ =	swait.ge [sflag:s9], $0x8000  }
0x4b: {  	[sflag:s9] =	ssyncset.done $0x0  }
0x4c: {  	[sflag:s9] =	ssyncadd.s32 $0xFFFF8000  }
0x4d: {  	[tilespmem:s10], [sflag:$0x1] =	stream.linear.gather [hbm4b:s5+s1], $0x10000, $0x38;
	[tilespmem:$0x1C000] =	vst v63  }
0x4e: {  	_ =	swait.ge [sflag:s9], $0x10000  }
0x4f: {  	[sflag:s9] =	ssyncset.done $0x0  }
0x50: {  	s14 =	simm.s32 $0x0;
	[sflag:s9] =	ssyncadd.s32 $0xFFFF0000  }
.LBB2_2:
0x51: {  	s15 =	sshll.u32 s14, $0xA  }
0x52: {  	s17 =	simm.s32 $0x0;
	s16 =	sadd.s32 s3, s15  }
0x53: {  	[tilespmem:s11], [sflag:$0x1] =	stream.linear.gather [hbm4b:s16+s17], $0x2000, $0x38;
	[tilespmem:$0x1C000] =	vst v63  }
0x54: {  	_ =	swait.ge [sflag:s9], $0x2000  }
0x55: {  	[sflag:s9] =	ssyncset.done $0x0  }
0x56: {  	s15 =	sadd.s32 s4, s15;
	[sflag:s9] =	ssyncadd.s32 $0xFFFFE000  }
0x57: {  	[tilespmem:s12], [sflag:$0x1] =	stream.linear.gather [hbm4b:s15+s17], $0x2000, $0x38;
	[tilespmem:$0x1C000] =	vst v63  }
0x58: {  	_ =	swait.ge [sflag:s9], $0x2000  }
0x59: {  	[sflag:s9] =	ssyncset.done $0x0  }
0x5a: {  	s31 =	simm.s32 $0x0;
	[sflag:s9] =	ssyncadd.s32 $0xFFFFE000  }
0x5b: {  	v16 =	vld [tilespmem:s31+$0x18030];
	_ =	sdelay $0x4  }
0x5c: {  	v17 =	vshll.u32 v16, $0x3  }
0x5d: {  	v18 =	vld [tilespmem:s31+$0x18020];
	v16 =	vand.u32 $0x7F, v16;
	v17 =	vand.u32 $0xFFFFFC00, v17  }
0x5e: {  	v19 =	vld [tilespmem:s31+$0x18010];
	v16 =	vor.u32 v16, v17  }
0x5f: {  	v20 =	vld [tilespmem:s31+$0x18000];
	v17 =	vor.u32 v4, v16  }
0x60: {  	v21 =	vld [tilespmem:s31+$0x1A000];
	v22 =	vor.u32 v1, v16  }
0x61: {  	v24 =	vld [tilespmem:s31+$0x1A030];
	v23 =	vor.u32 v0, v16  }
0x62: {  	v26 =	vld [tilespmem:s31+$0x1A020];
	v25 =	vor.u32 v6, v16  }
0x63: {  	v29 =	vld [tilespmem:s31+$0x1A010];
	v27 =	vshll.u32 v19, $0x3;
	v28 =	vor.u32 v3, v16  }
0x64: {  	v19 =	vand.u32 $0x7F, v19;
	v27 =	vand.u32 $0xFFFFFC00, v27;
	v30 =	vor.u32 v2, v16;
	v17 =	vld.idx.msk [tilespmem:v17+s1+$0x0], $0xffff  }
0x65: {  	v31 =	vshll.u32 v18, $0x3;
	v27 =	vor.u32 v19, v27;
	v32 =	vor.u32 v5, v16;
	v19 =	vld.idx.msk [tilespmem:v22+s1+$0x0], $0xffff  }
0x66: {  	v18 =	vand.u32 $0x7F, v18;
	v59 =	vand.u32 $0xFFFFFC00, v31;
	v60 =	vor.u32 v6, v27;
	v23 =	vld.idx.msk [tilespmem:v23+s1+$0x0], $0xffff  }
0x67: {  	v16 =	vor.u32 v7, v16;
	v22 =	vor.u32 v18, v59;
	v18 =	vld.idx.msk [tilespmem:v25+s1+$0x0], $0xffff  }
0x68: {  	v37 =	vshll.u32 v20, $0x3;
	v34 =	vor.u32 v5, v27;
	v28 =	vld.idx.msk [tilespmem:v28+s1+$0x0], $0xffff  }
0x69: {  	v20 =	vand.u32 $0x7F, v20;
	v37 =	vand.u32 $0xFFFFFC00, v37;
	v35 =	vor.u32 v4, v27;
	v30 =	vld.idx.msk [tilespmem:v30+s1+$0x0], $0xffff  }
0x6a: {  	v20 =	vor.u32 v20, v37;
	v36 =	vor.u32 v7, v27;
	v32 =	vld.idx.msk [tilespmem:v32+s1+$0x0], $0xffff  }
0x6b: {  	v40 =	vor.u32 v6, v20;
	v31 =	vld.idx.msk [tilespmem:v60+s1+$0x0], $0xffff  }
0x6c: {  	v42 =	vor.u32 v3, v20;
	v16 =	vld.idx.msk [tilespmem:v16+s1+$0x0], $0xffff  }
0x6d: {  	v44 =	vor.u32 v2, v20;
	v34 =	vld.idx.msk [tilespmem:v34+s1+$0x0], $0xffff  }
0x6e: {  	v45 =	vor.u32 v4, v20;
	v35 =	vld.idx.msk [tilespmem:v35+s1+$0x0], $0xffff  }
0x6f: {  	v46 =	vor.u32 v7, v20;
	v36 =	vld.idx.msk [tilespmem:v36+s1+$0x0], $0xffff  }
0x70: {  	v47 =	vor.u32 v1, v20;
	v40 =	vld.idx.msk [tilespmem:v40+s1+$0x0], $0xffff  }
0x71: {  	v48 =	vor.u32 v5, v20;
	v42 =	vld.idx.msk [tilespmem:v42+s1+$0x0], $0xffff  }
0x72: {  	v20 =	vor.u32 v0, v20;
	v44 =	vld.idx.msk [tilespmem:v44+s1+$0x0], $0xffff  }
0x73: {  	v49 =	vor.u32 v2, v27;
	v45 =	vld.idx.msk [tilespmem:v45+s1+$0x0], $0xffff  }
0x74: {  	v50 =	vor.u32 v1, v27;
	v46 =	vld.idx.msk [tilespmem:v46+s1+$0x0], $0xffff  }
0x75: {  	v52 =	vor.u32 v0, v27;
	v47 =	vld.idx.msk [tilespmem:v47+s1+$0x0], $0xffff  }
0x76: {  	v27 =	vor.u32 v3, v27;
	v48 =	vld.idx.msk [tilespmem:v48+s1+$0x0], $0xffff  }
0x77: {  	v20 =	vld.idx.msk [tilespmem:v20+s1+$0x0], $0xffff;
	v61 =	vor.u32 v3, v22  }
0x78: {  	v49 =	vld.idx.msk [tilespmem:v49+s1+$0x0], $0xffff;
	v33 =	vor.u32 v6, v22  }
0x79: {  	v50 =	vld.idx.msk [tilespmem:v50+s1+$0x0], $0xffff;
	v38 =	vor.u32 v5, v22  }
0x7a: {  	v52 =	vld.idx.msk [tilespmem:v52+s1+$0x0], $0xffff;
	v39 =	vor.u32 v1, v22  }
0x7b: {  	v27 =	vld.idx.msk [tilespmem:v27+s1+$0x0], $0xffff;
	v62 =	vor.u32 v4, v22  }
0x7c: {  	v51 =	vshll.u32 v21, $0x3;
	v41 =	vor.u32 v2, v22;
	v25 =	vld.idx.msk [tilespmem:v61+s1+$0x0], $0xffff  }
0x7d: {  	v21 =	vand.u32 $0x7F, v21;
	v51 =	vand.u32 $0xFFFFFC00, v51;
	v43 =	vor.u32 v7, v22;
	v33 =	vld.idx.msk [tilespmem:v33+s1+$0x0], $0xffff  }
0x7e: {  	v21 =	vor.u32 v21, v51;
	v22 =	vor.u32 v0, v22;
	v38 =	vld.idx.msk [tilespmem:v38+s1+$0x0], $0xffff  }
0x7f: {  	v51 =	vadd.s32 v8, v21;
	v39 =	vld.idx.msk [tilespmem:v39+s1+$0x0], $0xffff  }
0x80: {  	v53 =	vadd.s32 v9, v21;
	v37 =	vld.idx.msk [tilespmem:v62+s1+$0x0], $0xffff  }
0x81: {  	v54 =	vadd.s32 v10, v21;
	v41 =	vld.idx.msk [tilespmem:v41+s1+$0x0], $0xffff  }
0x82: {  	v55 =	vadd.s32 v11, v21;
	v43 =	vld.idx.msk [tilespmem:v43+s1+$0x0], $0xffff  }
0x83: {  	v56 =	vadd.s32 v12, v21;
	v22 =	vld.idx.msk [tilespmem:v22+s1+$0x0], $0xffff  }
0x84: {  	v57 =	vshll.u32 v29, $0x3;
	v58 =	vadd.s32 v13, v21;
	[tilespmem:v51+s10+$0x0] =	vst.idx.add.f32.msk $0xffff, v20  }
0x85: {  	v57 =	vand.u32 $0xFFFFFC00, v57;
	v63 =	vadd.s32 v14, v21;
	v20 =	vand.u32 $0x7F, v29;
	[tilespmem:v53+s10+$0x0] =	vst.idx.add.f32.msk $0xffff, v47  }
0x86: {  	v21 =	vadd.s32 v15, v21;
	v20 =	vor.u32 v20, v57;
	[tilespmem:v54+s10+$0x0] =	vst.idx.add.f32.msk $0xffff, v44  }
0x87: {  	v59 =	vadd.s32 v8, v20;
	[tilespmem:v55+s10+$0x0] =	vst.idx.add.f32.msk $0xffff, v42  }
0x88: {  	v60 =	vadd.s32 v9, v20;
	[tilespmem:v56+s10+$0x0] =	vst.idx.add.f32.msk $0xffff, v45  }
0x89: {  	v61 =	vadd.s32 v10, v20;
	[tilespmem:v58+s10+$0x0] =	vst.idx.add.f32.msk $0xffff, v48  }
0x8a: {  	v62 =	vadd.s32 v11, v20;
	[tilespmem:v63+s10+$0x0] =	vst.idx.add.f32.msk $0xffff, v40  }
0x8b: {  	v63 =	vadd.s32 v12, v20;
	[tilespmem:v21+s10+$0x0] =	vst.idx.add.f32.msk $0xffff, v46  }
0x8c: {  	v47 =	vshll.u32 v26, $0x3;
	v48 =	vadd.s32 v13, v20;
	[tilespmem:v59+s10+$0x0] =	vst.idx.add.f32.msk $0xffff, v52  }
0x8d: {  	v26 =	vand.u32 $0x7F, v26;
	v40 =	vand.u32 $0xFFFFFC00, v47;
	[tilespmem:v60+s10+$0x0] =	vst.idx.add.f32.msk $0xffff, v50;
	v50 =	vadd.s32 v14, v20  }
0x8e: {  	v26 =	vor.u32 v26, v40;
	v20 =	vadd.s32 v15, v20;
	[tilespmem:v61+s10+$0x0] =	vst.idx.add.f32.msk $0xffff, v49  }
0x8f: {  	v51 =	vadd.s32 v8, v26;
	[tilespmem:v62+s10+$0x0] =	vst.idx.add.f32.msk $0xffff, v27  }
0x90: {  	v52 =	vadd.s32 v9, v26;
	[tilespmem:v63+s10+$0x0] =	vst.idx.add.f32.msk $0xffff, v35  }
0x91: {  	v53 =	vadd.s32 v10, v26;
	[tilespmem:v48+s10+$0x0] =	vst.idx.add.f32.msk $0xffff, v34  }
0x92: {  	v54 =	vadd.s32 v11, v26;
	[tilespmem:v50+s10+$0x0] =	vst.idx.add.f32.msk $0xffff, v31  }
0x93: {  	[tilespmem:v20+s10+$0x0] =	vst.idx.add.f32.msk $0xffff, v36;
	v20 =	vadd.s32 v12, v26  }
0x94: {  	v55 =	vshll.u32 v24, $0x3;
	v56 =	vadd.s32 v13, v26;
	[tilespmem:v51+s10+$0x0] =	vst.idx.add.f32.msk $0xffff, v22  }
0x95: {  	v24 =	vand.u32 $0x7F, v24;
	v57 =	vand.u32 $0xFFFFFC00, v55;
	v58 =	vadd.s32 v14, v26;
	[tilespmem:v52+s10+$0x0] =	vst.idx.add.f32.msk $0xffff, v39  }
0x96: {  	v24 =	vor.u32 v24, v57;
	v26 =	vadd.s32 v15, v26;
	[tilespmem:v53+s10+$0x0] =	vst.idx.add.f32.msk $0xffff, v41  }
0x97: {  	v59 =	vadd.s32 v8, v24;
	[tilespmem:v54+s10+$0x0] =	vst.idx.add.f32.msk $0xffff, v25  }
0x98: {  	[tilespmem:v20+s10+$0x0] =	vst.idx.add.f32.msk $0xffff, v37;
	v20 =	vadd.s32 v9, v24  }
0x99: {  	v60 =	vadd.s32 v10, v24;
	[tilespmem:v56+s10+$0x0] =	vst.idx.add.f32.msk $0xffff, v38  }
0x9a: {  	v61 =	vadd.s32 v11, v24;
	[tilespmem:v58+s10+$0x0] =	vst.idx.add.f32.msk $0xffff, v33  }
0x9b: {  	v62 =	vadd.s32 v12, v24;
	[tilespmem:v26+s10+$0x0] =	vst.idx.add.f32.msk $0xffff, v43  }
0x9c: {  	v63 =	vadd.s32 v13, v24;
	[tilespmem:v59+s10+$0x0] =	vst.idx.add.f32.msk $0xffff, v23  }
0x9d: {  	[tilespmem:v20+s10+$0x0] =	vst.idx.add.f32.msk $0xffff, v19;
	v20 =	vadd.s32 v14, v24  }
0x9e: {  	v19 =	vadd.s32 v15, v24;
	[tilespmem:v60+s10+$0x0] =	vst.idx.add.f32.msk $0xffff, v30  }
0x9f: {  	[tilespmem:v61+s10+$0x0] =	vst.idx.add.f32.msk $0xffff, v28  }
0xa0: {  	[tilespmem:v62+s10+$0x0] =	vst.idx.add.f32.msk $0xffff, v17  }
0xa1: {  	[tilespmem:v63+s10+$0x0] =	vst.idx.add.f32.msk $0xffff, v32  }
0xa2: {  	s15 =	simm.s32 $0x100;
	[tilespmem:v20+s10+$0x0] =	vst.idx.add.f32.msk $0xffff, v18  }
.LBB2_3:
0xa3: {  	s16 =	sshra.s32 s15, $0x2;
	p0 =	sne.s32 s15, $0x7F00;
	s15 =	sadd.s32 $0x100, s15;
	[tilespmem:v19+s10+$0x0] =	vst.idx.add.f32.msk $0xffff, v16  }
0xa4: {  	v16 =	vld [tilespmem:s16+$0x18030]  }
0xa5: {  	v17 =	vld [tilespmem:s16+$0x18020]  }
0xa6: {  	v18 =	vld [tilespmem:s16+$0x18010]  }
0xa7: {  	v19 =	vld [tilespmem:s16+$0x18000];
	_ =	sdelay $0x1  }
0xa8: {  	v20 =	vshll.u32 v16, $0x3  }
0xa9: {  	v16 =	vand.u32 $0x7F, v16;
	v21 =	vld [tilespmem:s16+$0x1A000];
	v22 =	vshll.u32 v17, $0x3;
	v20 =	vand.u32 $0xFFFFFC00, v20  }
0xaa: {  	v23 =	vshll.u32 v18, $0x3;
	v22 =	vand.u32 $0xFFFFFC00, v22;
	v16 =	vor.u32 v16, v20  }
0xab: {  	v20 =	vor.u32 v1, v16;
	v24 =	vor.u32 v3, v16;
	v25 =	vor.u32 v4, v16  }
0xac: {  	v18 =	vand.u32 $0x7F, v18;
	v26 =	vor.u32 v0, v16;
	v27 =	vor.u32 v2, v16  }
0xad: {  	v29 =	vshll.u32 v19, $0x3;
	v23 =	vand.u32 $0xFFFFFC00, v23;
	v30 =	vor.u32 v6, v16;
	v28 =	vld [tilespmem:s16+$0x1A030]  }
0xae: {  	v32 =	vand.u32 $0x7F, v19;
	v33 =	vor.u32 v5, v16;
	v31 =	vld [tilespmem:s16+$0x1A020];
	v19 =	vshll.u32 v21, $0x3  }
0xaf: {  	v17 =	vand.u32 $0x7F, v17;
	v35 =	vor.u32 v18, v23;
	v34 =	vld [tilespmem:s16+$0x1A010];
	v18 =	vand.u32 $0xFFFFFC00, v19  }
0xb0: {  	v37 =	vor.u32 v17, v22;
	v36 =	vor.u32 v6, v35;
	v21 =	vand.u32 $0x7F, v21;
	v17 =	vld.idx.msk [tilespmem:v25+s1+$0x0], $0xffff  }
0xb1: {  	v16 =	vor.u32 v7, v16;
	v25 =	vor.u32 v4, v35;
	v38 =	vor.u32 v21, v18;
	v19 =	vld.idx.msk [tilespmem:v20+s1+$0x0], $0xffff  }
0xb2: {  	v40 =	vor.u32 v6, v37;
	v39 =	vor.u32 v5, v35;
	v20 =	vld.idx.msk [tilespmem:v26+s1+$0x0], $0xffff;
	v26 =	vadd.s32 v9, v38  }
0xb3: {  	v41 =	vor.u32 v3, v37;
	v42 =	vadd.s32 v10, v38;
	v18 =	vld.idx.msk [tilespmem:v30+s1+$0x0], $0xffff;
	v30 =	vadd.s32 v8, v38  }
0xb4: {  	v22 =	vand.u32 $0xFFFFFC00, v29;
	v21 =	vld.idx.msk [tilespmem:v24+s1+$0x0], $0xffff;
	v24 =	vadd.s32 v11, v38;
	v29 =	vand.u32 $0x7F, v34  }
0xb5: {  	v43 =	vor.u32 v1, v37;
	v34 =	vshll.u32 v34, $0x3;
	v23 =	vld.idx.msk [tilespmem:v27+s1+$0x0], $0xffff;
	v27 =	vadd.s32 v12, v38  }
0xb6: {  	v32 =	vor.u32 v32, v22;
	v44 =	vor.u32 v7, v35;
	v22 =	vld.idx.msk [tilespmem:v33+s1+$0x0], $0xffff;
	v33 =	vadd.s32 v13, v38  }
0xb7: {  	v45 =	vor.u32 v5, v37;
	v46 =	vadd.s32 v14, v38;
	v34 =	vand.u32 $0xFFFFFC00, v34;
	v36 =	vld.idx.msk [tilespmem:v36+s1+$0x0], $0xffff  }
0xb8: {  	v47 =	vor.u32 v4, v37;
	v29 =	vor.u32 v29, v34;
	v34 =	vshll.u32 v31, $0x3;
	v16 =	vld.idx.msk [tilespmem:v16+s1+$0x0], $0xffff  }
0xb9: {  	v48 =	vor.u32 v2, v37;
	v31 =	vand.u32 $0x7F, v31;
	v34 =	vand.u32 $0xFFFFFC00, v34;
	v41 =	vld.idx.msk [tilespmem:v41+s1+$0x0], $0xffff  }
0xba: {  	v50 =	vor.u32 v7, v37;
	v49 =	vor.u32 v6, v32;
	v31 =	vor.u32 v31, v34;
	v40 =	vld.idx.msk [tilespmem:v40+s1+$0x0], $0xffff  }
0xbb: {  	v51 =	vshll.u32 v28, $0x3;
	v34 =	vor.u32 v3, v32;
	v39 =	vld.idx.msk [tilespmem:v39+s1+$0x0], $0xffff  }
0xbc: {  	v52 =	vor.u32 v5, v32;
	v28 =	vand.u32 $0x7F, v28;
	v51 =	vand.u32 $0xFFFFFC00, v51;
	v25 =	vld.idx.msk [tilespmem:v25+s1+$0x0], $0xffff  }
0xbd: {  	v53 =	vor.u32 v2, v32;
	v54 =	vor.u32 v4, v32;
	v28 =	vor.u32 v28, v51;
	v44 =	vld.idx.msk [tilespmem:v44+s1+$0x0], $0xffff  }
0xbe: {  	v45 =	vld.idx.msk [tilespmem:v45+s1+$0x0], $0xffff  }
0xbf: {  	v51 =	vor.u32 v7, v32;
	v43 =	vld.idx.msk [tilespmem:v43+s1+$0x0], $0xffff  }
0xc0: {  	v47 =	vld.idx.msk [tilespmem:v47+s1+$0x0], $0xffff  }
0xc1: {  	v49 =	vld.idx.msk [tilespmem:v49+s1+$0x0], $0xffff  }
0xc2: {  	v55 =	vor.u32 v1, v32;
	v48 =	vld.idx.msk [tilespmem:v48+s1+$0x0], $0xffff  }
0xc3: {  	v32 =	vor.u32 v0, v32;
	v34 =	vld.idx.msk [tilespmem:v34+s1+$0x0], $0xffff  }
0xc4: {  	v50 =	vld.idx.msk [tilespmem:v50+s1+$0x0], $0xffff  }
0xc5: {  	v53 =	vld.idx.msk [tilespmem:v53+s1+$0x0], $0xffff  }
0xc6: {  	v56 =	vor.u32 v2, v35;
	v54 =	vld.idx.msk [tilespmem:v54+s1+$0x0], $0xffff  }
0xc7: {  	v57 =	vor.u32 v1, v35;
	v51 =	vld.idx.msk [tilespmem:v51+s1+$0x0], $0xffff  }
0xc8: {  	v58 =	vor.u32 v0, v35;
	v55 =	vld.idx.msk [tilespmem:v55+s1+$0x0], $0xffff  }
0xc9: {  	v35 =	vor.u32 v3, v35;
	v52 =	vld.idx.msk [tilespmem:v52+s1+$0x0], $0xffff  }
0xca: {  	v37 =	vor.u32 v0, v37;
	v32 =	vld.idx.msk [tilespmem:v32+s1+$0x0], $0xffff  }
0xcb: {  	v56 =	vld.idx.msk [tilespmem:v56+s1+$0x0], $0xffff  }
0xcc: {  	v57 =	vld.idx.msk [tilespmem:v57+s1+$0x0], $0xffff  }
0xcd: {  	v58 =	vld.idx.msk [tilespmem:v58+s1+$0x0], $0xffff  }
0xce: {  	v35 =	vld.idx.msk [tilespmem:v35+s1+$0x0], $0xffff  }
0xcf: {  	v37 =	vld.idx.msk [tilespmem:v37+s1+$0x0], $0xffff  }
0xd0: {  	[tilespmem:v30+s10+$0x0] =	vst.idx.add.f32.msk $0xffff, v32  }
0xd1: {  	[tilespmem:v26+s10+$0x0] =	vst.idx.add.f32.msk $0xffff, v55  }
0xd2: {  	v26 =	vadd.s32 v15, v38;
	[tilespmem:v42+s10+$0x0] =	vst.idx.add.f32.msk $0xffff, v53  }
0xd3: {  	[tilespmem:v24+s10+$0x0] =	vst.idx.add.f32.msk $0xffff, v34;
	v24 =	vadd.s32 v8, v29  }
0xd4: {  	[tilespmem:v27+s10+$0x0] =	vst.idx.add.f32.msk $0xffff, v54;
	v27 =	vadd.s32 v9, v29  }
0xd5: {  	v30 =	vadd.s32 v10, v29;
	[tilespmem:v33+s10+$0x0] =	vst.idx.add.f32.msk $0xffff, v52  }
0xd6: {  	v32 =	vadd.s32 v11, v29;
	[tilespmem:v46+s10+$0x0] =	vst.idx.add.f32.msk $0xffff, v49  }
0xd7: {  	[tilespmem:v26+s10+$0x0] =	vst.idx.add.f32.msk $0xffff, v51;
	v26 =	vadd.s32 v12, v29  }
0xd8: {  	[tilespmem:v24+s10+$0x0] =	vst.idx.add.f32.msk $0xffff, v58;
	v24 =	vadd.s32 v13, v29  }
0xd9: {  	[tilespmem:v27+s10+$0x0] =	vst.idx.add.f32.msk $0xffff, v57;
	v27 =	vadd.s32 v14, v29  }
0xda: {  	v29 =	vadd.s32 v15, v29;
	[tilespmem:v30+s10+$0x0] =	vst.idx.add.f32.msk $0xffff, v56  }
0xdb: {  	v30 =	vadd.s32 v8, v31;
	[tilespmem:v32+s10+$0x0] =	vst.idx.add.f32.msk $0xffff, v35  }
0xdc: {  	[tilespmem:v26+s10+$0x0] =	vst.idx.add.f32.msk $0xffff, v25;
	v25 =	vadd.s32 v9, v31  }
0xdd: {  	[tilespmem:v24+s10+$0x0] =	vst.idx.add.f32.msk $0xffff, v39;
	v24 =	vadd.s32 v10, v31  }
0xde: {  	v26 =	vadd.s32 v11, v31;
	[tilespmem:v27+s10+$0x0] =	vst.idx.add.f32.msk $0xffff, v36  }
0xdf: {  	v27 =	vadd.s32 v12, v31;
	[tilespmem:v29+s10+$0x0] =	vst.idx.add.f32.msk $0xffff, v44  }
0xe0: {  	v29 =	vadd.s32 v13, v31;
	[tilespmem:v30+s10+$0x0] =	vst.idx.add.f32.msk $0xffff, v37  }
0xe1: {  	[tilespmem:v25+s10+$0x0] =	vst.idx.add.f32.msk $0xffff, v43;
	v25 =	vadd.s32 v14, v31  }
0xe2: {  	[tilespmem:v24+s10+$0x0] =	vst.idx.add.f32.msk $0xffff, v48;
	v24 =	vadd.s32 v15, v31  }
0xe3: {  	[tilespmem:v26+s10+$0x0] =	vst.idx.add.f32.msk $0xffff, v41;
	v26 =	vadd.s32 v8, v28  }
0xe4: {  	[tilespmem:v27+s10+$0x0] =	vst.idx.add.f32.msk $0xffff, v47;
	v27 =	vadd.s32 v9, v28  }
0xe5: {  	[tilespmem:v29+s10+$0x0] =	vst.idx.add.f32.msk $0xffff, v45;
	v29 =	vadd.s32 v10, v28  }
0xe6: {  	[tilespmem:v25+s10+$0x0] =	vst.idx.add.f32.msk $0xffff, v40;
	v25 =	vadd.s32 v11, v28  }
0xe7: {  	[tilespmem:v24+s10+$0x0] =	vst.idx.add.f32.msk $0xffff, v50;
	v24 =	vadd.s32 v12, v28  }
0xe8: {  	[tilespmem:v26+s10+$0x0] =	vst.idx.add.f32.msk $0xffff, v20;
	v20 =	vadd.s32 v13, v28  }
0xe9: {  	v26 =	vadd.s32 v14, v28;
	[tilespmem:v27+s10+$0x0] =	vst.idx.add.f32.msk $0xffff, v19  }
.Ltmp0:
0xea: {  	v19 =	vadd.s32 v15, v28;
	[tilespmem:v29+s10+$0x0] =	vst.idx.add.f32.msk $0xffff, v23;
	(pc) =	sbr.rel @p0 .LBB2_3-.Ltmp0, $4  }
0xeb: {  	[tilespmem:v25+s10+$0x0] =	vst.idx.add.f32.msk $0xffff, v21  }
0xec: {  	[tilespmem:v24+s10+$0x0] =	vst.idx.add.f32.msk $0xffff, v17  }
0xed: {  	[tilespmem:v20+s10+$0x0] =	vst.idx.add.f32.msk $0xffff, v22  }
0xee: {  	[tilespmem:v26+s10+$0x0] =	vst.idx.add.f32.msk $0xffff, v18  }
0xef: {  	s14 =	sadd.s32 $0x1, s14  }
0xf0: {  	p0 =	sne.s32 s14, $0x8  }
.Ltmp1:
0xf1: {  	_ = 	snop;
	(pc) =	sbr.rel @p0 .LBB2_2-.Ltmp1, $2  }
0xf2: {  	_ =	sdelay $0x2  }
0xf3: {  	[tilespmem:v19+s10+$0x0] =	vst.idx.add.f32.msk $0xffff, v16  }
0xf4: {  	s14 =	simm.s32 $0x0  }
0xf5: {  	s15 =	sand.u32 $0x70, s14;
	s16 =	sand.u32 $0x7C00, s14  }
0xf6: {  	s15 =	sor.u32 s15, s16  }
0xf7: {  	v16 =	vld [tilespmem:s15+$0x10000]  }
0xf8: {  	v17 =	vld [tilespmem:s15+$0x8000]  }
0xf9: {  	v18 =	vld [tilespmem:s15+$0x8080]  }
0xfa: {  	v19 =	vld [tilespmem:s15+$0x10080]  }
0xfb: {  	v20 =	vld [tilespmem:s15+$0x8100]  }
0xfc: {  	v21 =	vld [tilespmem:s15+$0x10100]  }
0xfd: {  	v22 =	vld [tilespmem:s15+$0x8180]  }
0xfe: {  	v23 =	vld [tilespmem:s15+$0x10180]  }
0xff: {  	v24 =	vld [tilespmem:s15+$0x8200]  }
0x100: {  	v25 =	vld [tilespmem:s15+$0x10200]  }
0x101: {  	v26 =	vld [tilespmem:s15+$0x8280]  }
0x102: {  	v27 =	vld [tilespmem:s15+$0x10280]  }
0x103: {  	v16 =	vadd.f32 v16, v17;
	v17 =	vld [tilespmem:s15+$0x8300]  }
0x104: {  	v18 =	vadd.f32 v19, v18;
	v19 =	vld [tilespmem:s15+$0x10300]  }
0x105: {  	[tilespmem:s15+$0x8000] =	vst v16;
	v16 =	vadd.f32 v21, v20  }
0x106: {  	[tilespmem:s15+$0x8080] =	vst v18;
	v18 =	vadd.f32 v23, v22  }
0x107: {  	[tilespmem:s15+$0x8100] =	vst v16;
	v16 =	vadd.f32 v25, v24  }
0x108: {  	s30 =	sand.u32 $0x7, s14;
	[tilespmem:s15+$0x8180] =	vst v18;
	v18 =	vadd.f32 v27, v26  }
0x109: {  	s16 =	sshll.u32 s30, $0x4;
	[tilespmem:s15+$0x8200] =	vst v16;
	v16 =	vadd.f32 v19, v17  }
0x10a: {  	s16 =	sadd.s32 $0x0, s16;
	[tilespmem:s15+$0x8280] =	vst v18  }
0x10b: {  	s17 =	sor.u32 $0x380, s16;
	[tilespmem:s15+$0x8300] =	vst v16;
	v16 =	vld [tilespmem:s15+$0x10380]  }
0x10c: {  	v17 =	vld [tilespmem:s17+$0x8000];
	_ =	sdelay $0x4  }
0x10d: {  	s31 =	simm.s32 $0x10;
	s15 =	simm.s32 $0x80;
	v16 =	vadd.f32 v16, v17  }
0x10e: {  	s16 =	sand.u32 $0x70, s31;
	s18 =	sand.u32 $0x7C00, s15  }
0x10f: {  	s16 =	sor.u32 s16, s18;
	[tilespmem:s17+$0x8000] =	vst v16  }
0x110: {  	v16 =	vld [tilespmem:s16+$0x10000]  }
0x111: {  	v22 =	vld [tilespmem:s16+$0x8000]  }
0x112: {  	v19 =	vld [tilespmem:s16+$0x8080]  }
0x113: {  	v25 =	vld [tilespmem:s16+$0x10080]  }
0x114: {  	v17 =	vld [tilespmem:s16+$0x8100]  }
0x115: {  	v23 =	vld [tilespmem:s16+$0x10100]  }
0x116: {  	v20 =	vld [tilespmem:s16+$0x8180]  }
0x117: {  	v26 =	vld [tilespmem:s16+$0x10180]  }
0x118: {  	v21 =	vld [tilespmem:s16+$0x8200]  }
0x119: {  	v27 =	vld [tilespmem:s16+$0x10200]  }
0x11a: {  	v18 =	vld [tilespmem:s16+$0x8280]  }
0x11b: {  	s17 =	simm.s32 $0x20;
	v24 =	vld [tilespmem:s16+$0x10280]  }
.LBB2_6:
0x11c: {  	p0 =	sne.s32 s17, $0xFF0;
	v16 =	vadd.f32 v16, v22;
	v22 =	vld [tilespmem:s16+$0x8300]  }
0x11d: {  	v19 =	vadd.f32 v25, v19;
	v25 =	vld [tilespmem:s16+$0x10300]  }
0x11e: {  	[tilespmem:s16+$0x8000] =	vst v16;
	v16 =	vadd.f32 v23, v17  }
0x11f: {  	v17 =	vadd.f32 v26, v20;
	[tilespmem:s16+$0x8080] =	vst v19  }
0x120: {  	s14 =	sadd.s32 $0x1, s14;
	[tilespmem:s16+$0x8100] =	vst v16;
	v16 =	vadd.f32 v27, v21  }
0x121: {  	s18 =	sand.u32 $0x7, s14;
	[tilespmem:s16+$0x8180] =	vst v17;
	v17 =	vadd.f32 v24, v18  }
0x122: {  	s18 =	sshll.u32 s18, $0x4;
	[tilespmem:s16+$0x8200] =	vst v16;
	v16 =	vadd.f32 v25, v22  }
0x123: {  	s18 =	sadd.s32 s18, s15;
	[tilespmem:s16+$0x8280] =	vst v17  }
0x124: {  	s18 =	sor.u32 $0x380, s18;
	[tilespmem:s16+$0x8300] =	vst v16;
	v16 =	vld [tilespmem:s16+$0x10380]  }
0x125: {  	v17 =	vld [tilespmem:s18+$0x8000];
	_ =	sdelay $0x4  }
0x126: {  	s15 =	sadd.s32 $0x80, s15;
	v16 =	vadd.f32 v16, v17  }
0x127: {  	s19 =	sand.u32 $0x7C00, s15;
	s16 =	sand.u32 $0x70, s17  }
0x128: {  	s16 =	sor.u32 s16, s19;
	[tilespmem:s18+$0x8000] =	vst v16  }
0x129: {  	v16 =	vld [tilespmem:s16+$0x10000]  }
0x12a: {  	v22 =	vld [tilespmem:s16+$0x8000]  }
0x12b: {  	v19 =	vld [tilespmem:s16+$0x8080]  }
0x12c: {  	v25 =	vld [tilespmem:s16+$0x10080]  }
0x12d: {  	v17 =	vld [tilespmem:s16+$0x8100]  }
0x12e: {  	v23 =	vld [tilespmem:s16+$0x10100]  }
0x12f: {  	v20 =	vld [tilespmem:s16+$0x8180]  }
.Ltmp2:
0x130: {  	v26 =	vld [tilespmem:s16+$0x10180];
	(pc) =	sbr.rel @p0 .LBB2_6-.Ltmp2, $4  }
0x131: {  	v21 =	vld [tilespmem:s16+$0x8200]  }
0x132: {  	v27 =	vld [tilespmem:s16+$0x10200]  }
0x133: {  	v18 =	vld [tilespmem:s16+$0x8280]  }
0x134: {  	s17 =	sadd.s32 $0x10, s17;
	v24 =	vld [tilespmem:s16+$0x10280]  }
0x135: {  	v16 =	vadd.f32 v16, v22;
	v62 =	vld [tilespmem:s16+$0x8300]  }
0x136: {  	v19 =	vadd.f32 v25, v19;
	v63 =	vld [tilespmem:s16+$0x10300]  }
0x137: {  	[tilespmem:s16+$0x8000] =	vst v16;
	v16 =	vadd.f32 v23, v17  }
0x138: {  	[tilespmem:s16+$0x8080] =	vst v19;
	v17 =	vadd.f32 v26, v20  }
0x139: {  	s14 =	sadd.s32 $0x1, s14;
	[tilespmem:s16+$0x8100] =	vst v16;
	v16 =	vadd.f32 v27, v21  }
0x13a: {  	s14 =	sand.u32 $0x7, s14;
	[tilespmem:s16+$0x8180] =	vst v17;
	v17 =	vadd.f32 v24, v18  }
0x13b: {  	s14 =	sshll.u32 s14, $0x4;
	[tilespmem:s16+$0x8200] =	vst v16;
	v16 =	vadd.f32 v63, v62  }
0x13c: {  	s14 =	sadd.s32 s14, s15;
	[tilespmem:s16+$0x8280] =	vst v17  }
0x13d: {  	s14 =	sor.u32 $0x380, s14;
	[tilespmem:s16+$0x8300] =	vst v16;
	v16 =	vld [tilespmem:s16+$0x10380]  }
0x13e: {  	v17 =	vld [tilespmem:s14+$0x8000];
	_ =	sdelay $0x4  }
0x13f: {  	s13 =	sadd.s32 $0x1, s13;
	v16 =	vadd.f32 v16, v17  }
0x140: {  	p0 =	sne.s32 s13, s8  }
.Ltmp3:
0x141: {  	[tilespmem:s14+$0x8000] =	vst v16;
	(pc) =	sbr.rel @p0 .LBB2_1-.Ltmp3, $4  }
0x142: {  	[hbm4b:s7+s1] =	stream.linear.scatter [tilespmem:s10], [sflag:$0x1], $0x8000, $0x38;
	[tilespmem:$0x1C000] =	vst v63  }
0x143: {  	_ =	swait.ge [sflag:s9], $0x8000  }
0x144: {  	[sflag:s9] =	ssyncset.done $0x0  }
0x145: {  	[sflag:s9] =	ssyncadd.s32 $0xFFFF8000  }
0x146: {  	_ =	sfence.sel $0x180000  }
0x147: {  	[bflag:$0x0] =	sbarrier.arrive $0xFFFF  }
0x148: {  	p0 =	sne.s32 s2, $0x0;
	_ =	strace $0x9000004A  }
0x149: {  	s0 =	sadd.s32 @!p0 $0x100000, s0;
	[bflag:$0x2] =	sbarrier.arrive $0xFFFF  }
0x14a: {  	[sflag:s0] =	ssyncadd.tile.s32 @!p0 $0x1;
	_ =	shalt  }
.Lfunc_end2:
_tile_overlayer_lowered:
.L_overlay_start_2:
0x14b: {  	(tag) =	ssettag $0x2  }
0x14c: {  	s0 =	rddreg [dreg:$0x0];
	s2 =	stileid.u32  }
0x14d: {  	s1 =	rddreg [dreg:$0x1];
	p0 =	sne.s32 s2, $0x0  }
0x14e: {  	s3 =	rddreg [dreg:$0x2];
	[bflag:$0x3] =	sbarrier.arrive $0xFFFF;
	s2 =	simm.s32 @!p0 $0x1C01  }
0x14f: {  	[timem:s3], [sflag:s2] =	dma.local @!p0 [hbm:s0], s1  }
0x150: {  	s0 =	simm.s32 @!p0 $0x1  }
0x151: {  	_ =	swait.ge @!p0 [sflag:s0], s1  }
0x152: {  	s1 =	ssub.s32 @!p0 $0x0, s1;
	[sflag:s0] =	ssyncset.done @!p0 $0x0  }
0x153: {  	[sflag:s0] =	ssyncadd.s32 @!p0 s1  }
0x154: {  	[bflag:$0x3] =	sbarrier.arrive $0xFFFF  }
0x155: {  	_ =	shalt  }

// kernel: kernel.7.cloned.1.call-start
scs
__scs_entry_jumppad:
0x0: {  	(pc) =	sbr.rel $0x88, $3  }
0x1: {  	(tag) =	ssettag $0x0;
	lr =	simm.s32 $0x1  }
0x2: {  	[smem:$0x3F9C] =	sst lr;
	_ =	strace $0xD0000000  }
0x3: {  	_ = 	snop  }
0x4: {  	_ = 	snop  }
0x5: {  	_ = 	snop  }
0x6: {  	_ = 	snop  }
0x7: {  	_ = 	snop  }
__scs_overlays_trampoline_lowered:
0x8: {  	[smem:$0x3FAB] =	sst s0  }
0x9: {  	[smem:$0x3FAC] =	sst s1  }
0xa: {  	[smem:$0x3FAD] =	sst s2  }
0xb: {  	[smem:$0x3FAE] =	sst s3  }
0xc: {  	[smem:$0x3FAF] =	sst s4  }
0xd: {  	[smem:$0x3FB0] =	sst s5  }
0xe: {  	[smem:$0x3FB1] =	sst s6  }
0xf: {  	[smem:$0x3FB2] =	sst s7  }
0x10: {  	[smem:$0x3FB3] =	sst s8  }
0x11: {  	[smem:$0x3FB4] =	sst s9;
	s0 =	simm.s32 @!p0 $0x0  }
0x12: {  	s1 =	sld [smem:$0x3F9A];
	s0 =	simm.s32 @p0 $0x1  }
0x13: {  	[smem:$0x3FB5] =	sst s0;
	s0 =	simm.s32 @!p1 $0x0  }
0x14: {  	s2 =	sld [smem:$0x3F99];
	s0 =	simm.s32 @p1 $0x1  }
0x15: {  	[smem:$0x3FB6] =	sst s0;
	s0 =	simm.s32 @!p2 $0x0  }
0x16: {  	s3 =	sld [smem:$0x3FDB];
	s0 =	simm.s32 @p2 $0x1  }
0x17: {  	s4 =	simm.s32 $0x1BF5;
	[smem:$0x3FB8] =	sst s0  }
0x18: {  	s0 =	sld [smem:$0x3F9B];
	_ =	swait.ge [sflag:s4], $0x0  }
0x19: {  	s7 =	sld [smem:$0x3F9C]  }
0x1a: {  	s8 =	sadd.s32 $0xFFFFE003, lr  }
0x1b: {  	s9 =	sadd.s32 $0xFFFFFEF7, lr;
	s5 =	simm.s32 $0xFFFFFFFF;
	p2 =	slt.u32 s8, $0xFFFFF086  }
0x1c: {  	p1 =	slt.u32 s9, $0xF7A;
	s5 =	simm.s32 @!p2 $0x0  }
0x1d: {  	s5 =	simm.s32 @p1 $0x1;
	p0 =	seq.s32 s7, s2  }
0x1e: {  	s7 =	smul.u32 @!p0 $0xF7A, s2;
	p2 =	seq.s32 @!p0 s5, $0x0  }
0x1f: {  	s9 =	smul.u32 $0xF7A, s1;
	s8 =	simm.s32 @!p0 $0x1BF5;
	p2 =	por !p2, p0  }
0x20: {  	[sflag:s8] =	ssyncset.s32 @!p0 $0xFFFFF086;
	s6 =	sadd.s32 @!p0 s3, s7;
	s7 =	simm.s32 @!p0 $0x108  }
0x21: {  	s3 =	sadd.s32 s3, s9;
	s6 =	sadd.s32 @!p0 $0x88, s6;
	s7 =	simm.s32 @p2 $0x1082  }
0x22: {  	[simem:s7], [sflag:s8] =	dma.local @!p0 [hbm:s6], $0xF7A  }
0x23: {  	s9 =	sor.u32 $0xD0000000, s2;
	s6 =	simm.s32 $0x108;
	_ =	swait.ge @!p0 [sflag:s8], $0x0  }
0x24: {  	s3 =	sadd.s32 $0x88, s3;
	s6 =	simm.s32 @!p1 $0x1082;
	[sflag:s4] =	ssyncset.s32 $0xFFFFF086  }
0x25: {  	[simem:s6], [sflag:s4] =	dma.local [hbm:s3], $0xF7A  }
0x26: {  	[smem:$0x3F9C] =	sst s1;
	(tag) =	ssettag s2;
	_ =	strace s9  }
0x27: {  	s1 =	sld [smem:$0x3FAC]  }
0x28: {  	s2 =	sld [smem:$0x3FAD]  }
0x29: {  	s4 =	sld [smem:$0x3FAF]  }
0x2a: {  	p0 =	seq.s32 s5, $0x0;
	s5 =	sld [smem:$0x3FB0]  }
0x2b: {  	s6 =	sld [smem:$0x3FB1]  }
0x2c: {  	s7 =	sld [smem:$0x3FB2]  }
0x2d: {  	s3 =	simm.s32 $0x108;
	s8 =	sld [smem:$0x3FB3]  }
0x2e: {  	s3 =	simm.s32 @!p0 $0x1082;
	s9 =	sld [smem:$0x3FB4]  }
0x2f: {  	lr =	sadd.s32 s0, s3;
	s0 =	sld [smem:$0x3FAB]  }
0x30: {  	s3 =	sld [smem:$0x3FAE]  }
0x31: {  	[smem:$0x3FB7] =	sst s10  }
0x32: {  	s10 =	sld [smem:$0x3FB5];
	_ =	sdelay $0x3  }
0x33: {  	p0 =	seq.s32 s10, $0x1;
	s10 =	sld [smem:$0x3FB7];
	_ =	sdelay $0x3  }
0x34: {  	[smem:$0x3FB7] =	sst s10  }
0x35: {  	s10 =	sld [smem:$0x3FB6];
	_ =	sdelay $0x3  }
0x36: {  	p1 =	seq.s32 s10, $0x1;
	s10 =	sld [smem:$0x3FB7];
	_ =	sdelay $0x3  }
0x37: {  	[smem:$0x3FB7] =	sst s10  }
0x38: {  	s10 =	sld [smem:$0x3FB8]  }
0x39: {  	_ = 	snop;
	(pc) =	sbr.ind lr, $3  }
0x3a: {  	_ = 	snop  }
0x3b: {  	_ = 	snop  }
0x3c: {  	p2 =	seq.s32 s10, $0x1;
	s10 =	sld [smem:$0x3FB7]  }
0x3d: {  	_ =	shalt  }
0x3e: {  	_ =	shalt  }
0x3f: {  	_ =	shalt  }
0x40: {  	_ =	shalt  }
0x41: {  	_ =	shalt  }
0x42: {  	_ =	shalt  }
0x43: {  	_ =	shalt  }
0x44: {  	_ =	shalt  }
0x45: {  	_ =	shalt  }
0x46: {  	_ =	shalt  }
0x47: {  	_ =	shalt  }
0x48: {  	_ =	shalt  }
0x49: {  	_ =	shalt  }
0x4a: {  	_ =	shalt  }
0x4b: {  	_ =	shalt  }
0x4c: {  	_ =	shalt  }
0x4d: {  	_ =	shalt  }
0x4e: {  	_ =	shalt  }
0x4f: {  	_ =	shalt  }
0x50: {  	_ =	shalt  }
0x51: {  	_ =	shalt  }
0x52: {  	_ =	shalt  }
0x53: {  	_ =	shalt  }
0x54: {  	_ =	shalt  }
0x55: {  	_ =	shalt  }
0x56: {  	_ =	shalt  }
0x57: {  	_ =	shalt  }
0x58: {  	_ =	shalt  }
0x59: {  	_ =	shalt  }
0x5a: {  	_ =	shalt  }
0x5b: {  	_ =	shalt  }
0x5c: {  	_ =	shalt  }
0x5d: {  	_ =	shalt  }
0x5e: {  	_ =	shalt  }
0x5f: {  	_ =	shalt  }
0x60: {  	_ =	shalt  }
0x61: {  	_ =	shalt  }
0x62: {  	_ =	shalt  }
0x63: {  	_ =	shalt  }
0x64: {  	_ =	shalt  }
0x65: {  	_ =	shalt  }
0x66: {  	_ =	shalt  }
0x67: {  	_ =	shalt  }
0x68: {  	_ =	shalt  }
0x69: {  	_ =	shalt  }
0x6a: {  	_ =	shalt  }
0x6b: {  	_ =	shalt  }
0x6c: {  	_ =	shalt  }
0x6d: {  	_ =	shalt  }
0x6e: {  	_ =	shalt  }
0x6f: {  	_ =	shalt  }
0x70: {  	_ =	shalt  }
0x71: {  	_ =	shalt  }
0x72: {  	_ =	shalt  }
0x73: {  	_ =	shalt  }
0x74: {  	_ =	shalt  }
0x75: {  	_ =	shalt  }
0x76: {  	_ =	shalt  }
0x77: {  	_ =	shalt  }
0x78: {  	_ =	shalt  }
0x79: {  	_ =	shalt  }
0x7a: {  	_ =	shalt  }
0x7b: {  	_ =	shalt  }
0x7c: {  	_ =	shalt  }
0x7d: {  	_ =	shalt  }
0x7e: {  	_ =	shalt  }
0x7f: {  	_ =	shalt  }
0x80: {  	_ =	shalt  }
0x81: {  	_ =	shalt  }
0x82: {  	_ =	shalt  }
0x83: {  	_ =	shalt  }
0x84: {  	_ =	shalt  }
0x85: {  	_ =	shalt  }
0x86: {  	_ =	shalt  }
0x87: {  	_ =	shalt  }
.Lfunc_end0:
.L_simem_size_0:
called_computation_lowered:
.L_overlay_start_0:
0x88: {  	s2 =	sld [smem:$0x3FD9]  }
0x89: {  	s3 =	sld [smem:$0x3FFE];
	_ =	sdelay $0x1  }
0x8a: {  	s1 =	srdreg.scid  }
0x8b: {  	s0 =	sand.u32 $0x1, s1  }
0x8c: {  	s17 =	sshll.u32 s0, $0xA;
	s2 =	sadd.s32 s3, s2  }
0x8d: {  	s2 =	sadd.s32 s2, s17  }
0x8e: {  	[smem:$0x3FC3] =	sst s2  }
0x8f: {  	_ = 	snop  }
0x90: {  	s2 =	sld [smem:$0x3FD0];
	(tm) =	ssettm $0x1  }
0x91: {  	s18 =	sld [smem:$0x3FFB];
	_ =	sdelay $0x3  }
0x92: {  	_ =	strace s18  }
0x93: {  	s3 =	sld [smem:$0x3FFC];
	_ =	sdelay $0x3  }
0x94: {  	_ =	strace s3  }
0x95: {  	s3 =	sld [smem:$0x3FFD];
	_ =	sdelay $0x3  }
0x96: {  	_ =	strace s3  }
0x97: {  	_ =	strace $0x8FFFFFFF  }
0x98: {  	s19 =	sld [smem:$0x3FDB];
	_ =	sdelay $0x1  }
0x99: {  	s4 =	simm.s32 $_scs_section_size  }
0x9a: {  	s5 =	simm.s32 $_size__tile_overlayer_lowered;
	s6 =	simm.s32 $_tile_overlayer_lowered  }
0x9b: {  	s22 =	simm.s32 $0x1BFF;
	s21 =	sshll.u32 s6, $0x1;
	s3 =	sadd.s32 s4, s19  }
0x9c: {  	s7 =	simm.s32 $0x0;
	s20 =	sshll.u32 s5, $0x1;
	s5 =	sadd.s32 s21, s3  }
0x9d: {  	[timem:s7], [sflag:s22] =	dma.local [hbm:s5], s20  }
0x9e: {  	_ =	swait.ge [sflag:s22], s20  }
0x9f: {  	s4 =	ssub.s32 $0x0, s20;
	[sflag:s22] =	ssyncset.done $0x0  }
0xa0: {  	[sflag:s22] =	ssyncadd.s32 s4;
	_ =	sdelay $0x1  }
0xa1: {  	s23 =	simm.s32 $0x1B8B  }
0xa2: {  	_ =	swait.ge [sflag:s23], $0x1  }
0xa3: {  	[sflag:s23] =	ssyncset.done $0x0  }
0xa4: {  	s25 =	simm.s32 $0x1B8E;
	s24 =	sld [smem:$0x3FFE];
	[sflag:s23] =	ssyncadd.s32 $0xFFFFFFFF  }
0xa5: {  	s26 =	simm.s32 $execute0_lowered;
	[smem:$0x3FD2] =	sst s25  }
0xa6: {  	s5 =	sshll.u32 s26, $0x1;
	_ =	strace $0x80000046;
	[dreg:$0x1] =	wrdreg $0xFFFFFFFF  }
0xa7: {  	s28 =	simm.s32 $_size_execute0_lowered;
	s3 =	sadd.s32 s3, s5;
	[dreg:$0x0] =	wrdreg $0x0  }
0xa8: {  	s5 =	sshll.u32 s28, $0x1;
	[dreg:$0x2] =	wrdreg s3  }
0xa9: {  	[dreg:$0x3] =	wrdreg s5  }
0xaa: {  	[dreg:$0x4] =	wrdreg $0xC0  }
0xab: {  	_ =	task [dreg:s7], $0x5FFFF  }
0xac: {  	[dreg:$0x1] =	wrdreg $0xFFFFFFFF  }
0xad: {  	[dreg:$0x0] =	wrdreg $0x60  }
0xae: {  	[dreg:$0x2] =	wrdreg s24  }
0xaf: {  	[dreg:$0x3] =	wrdreg s2  }
0xb0: {  	[dreg:$0x4] =	wrdreg $0x9  }
0xb1: {  	_ =	task.clear_ibuf [dreg:s7], $0x5FFFF;
	_ =	strace $0x90000046  }
0xb2: {  	s29 =	simm.s32 $0x9;
	_ =	strace $0x80000048  }
0xb3: {  	_ =	swait.ge [sflag:s29], $0x1  }
0xb4: {  	[sflag:s29] =	ssyncadd.s32 $0xFFFFFFFF  }
0xb5: {  	_ =	strace $0x90000048  }
0xb6: {  	_ =	sfence  }
0xb7: {  	s30 =	sld [smem:$0x0];
	_ =	sdelay $0x2  }
0xb8: {  	s31 =	sshll.u32 s1, $0xD;
	s1 =	sshrl.u32 s1, $0x2  }
0xb9: {  	s3 =	sand.u32 $0x4000, s31;
	s1 =	sadd.s32 s1, s30  }
0xba: {  	s0 =	sor.u32 s3, s0;
	s1 =	sshll.u32 s1, $0x11  }
0xbb: {  	s0 =	sor.u32 s1, s0  }
0xbc: {  	s0 =	sadd.s32 $0x8F2B, s0  }
0xbd: {  	[sflag:s0] =	ssyncadd.remote.s32 $0x1  }
0xbe: {  	_ =	sfence.sel $0xFFFF  }
0xbf: {  	[dreg:$0x0] =	wrdreg $0xFFFFFFFF;
	(pc) =	sbr.abs _section_cstart, $3  }
0xc0: {  	[dreg:$0x1] =	wrdreg $0xFFFFFFFF  }
0xc1: {  	_ =	task.clear_ibuf [dreg:s7], $0x2FFFF;
	_ =	strace $0x9FFFFFFF  }
0xc2: {  	(tm) =	ssettm $0x7FFFFFFF  }
0xc3: {  	_ =	shalt  }
tec
execute0_lowered:
.L_overlay_start_1:
0x0: {  	(tag) =	ssettag $0x1  }
0x1: {  	s3 =	rddreg [dreg:$0x0]  }
0x2: {  	s4 =	rddreg [dreg:$0x1];
	s1 =	srdreg.scid  }
0x3: {  	s0 =	rddreg [dreg:$0x2];
	s2 =	simm.s32 $0x0;
	s10 =	simm.s32 $0x400  }
0x4: {  	s11 =	simm.s32 $0x0;
	s5 =	sand.u32 $0x1, s1;
	[smem:$0x7FF] =	sst s2  }
0x5: {  	s1 =	stileid.u32;
	s6 =	sshll.u32 s5, $0x4;
	_ =	strace $0x80000047  }
0x6: {  	v0 =	vimm.f32 $1.000000000e+00;
	s8 =	sshll.u32 s1, $0x4;
	s5 =	ssub.s32 $0x2, s5;
	s6 =	sor.u32 s1, s6  }
0x7: {  	vm0 =	vcmask $0x704;
	vm1 =	vcmask $0xB08;
	vm14 =	vcmask $0x3F3C;
	s8 =	sand.u32 $0x70, s8;
	s9 =	sshrl.u32 s5, $0x1;
	s7 =	sshll.u32 s6, $0x8  }
0x8: {  	vm2 =	vcmask $0xF0C;
	vm3 =	vcmask $0x1310;
	vm4 =	vcmask $0x1714;
	s6 =	sshll.u32 s6, $0x9;
	s8 =	sadd.s32 s4, s8;
	s9 =	ssub.s32 s5, s9  }
0x9: {  	vm5 =	vcmask $0x1B18;
	vm6 =	vcmask $0x1F1C;
	vm7 =	vcmask $0x2320;
	s7 =	sadd.s32 s7, s3;
	s3 =	sadd.s32 $0x5E00, s3;
	s6 =	sand.u32 $0x3000, s6  }
0xa: {  	vm8 =	vcmask $0x2724;
	vm9 =	vcmask $0x2B28;
	vm10 =	vcmask $0x2F2C;
	s4 =	sadd.s32 $0x1E00, s7;
	s5 =	sadd.s32 s6, s8;
	s6 =	smax.u32 s9, $0x1  }
0xb: {  	vm11 =	vcmask $0x3330;
	vm12 =	vcmask $0x3734;
	vm13 =	vcmask $0x3B38;
	s7 =	simm.s32 $0x1;
	s8 =	simm.s32 $0x1000;
	s9 =	simm.s32 $0x80  }
.LBB2_1:
0xc: {  	[tilespmem:s2], [sflag:$0x1] =	stream.linear.gather [hbm4b:s3+s2], $0x1000, $0x38;
	[tilespmem:$0x1800] =	vst v63  }
0xd: {  	_ =	swait.ge [sflag:s7], $0x1000  }
0xe: {  	[sflag:s7] =	ssyncset.done $0x0  }
0xf: {  	[sflag:s7] =	ssyncadd.s32 $0xFFFFF000  }
0x10: {  	[tilespmem:s8], [sflag:$0x1] =	stream.linear.gather [hbm4b:s4+s2], $0x800, $0x38;
	[tilespmem:$0x1800] =	vst v63  }
0x11: {  	_ =	swait.ge [sflag:s7], $0x800  }
0x12: {  	[sflag:s7] =	ssyncset.done $0x0  }
0x13: {  	s12 =	simm.s32 $0x0;
	[sflag:s7] =	ssyncadd.s32 $0xFFFFF800  }
0x14: {  	v1 =	vld [tilespmem:s12+$0x1000];
	_ =	sdelay $0x7  }
0x15: {  	[tilespmem:v1+s2+$0x0] =	vst.idx.add.f32.msk $0x1, v0  }
0x16: {  	[tilespmem:v1+s2+$0x0] =	vst.idx.add.f32.msk vm0, v0  }
0x17: {  	[tilespmem:v1+s2+$0x0] =	vst.idx.add.f32.msk vm1, v0  }
0x18: {  	[tilespmem:v1+s2+$0x0] =	vst.idx.add.f32.msk vm2, v0  }
0x19: {  	[tilespmem:v1+s2+$0x0] =	vst.idx.add.f32.msk vm3, v0  }
0x1a: {  	[tilespmem:v1+s2+$0x0] =	vst.idx.add.f32.msk vm4, v0  }
0x1b: {  	[tilespmem:v1+s2+$0x0] =	vst.idx.add.f32.msk vm5, v0  }
0x1c: {  	[tilespmem:v1+s2+$0x0] =	vst.idx.add.f32.msk vm6, v0  }
0x1d: {  	[tilespmem:v1+s2+$0x0] =	vst.idx.add.f32.msk vm7, v0  }
0x1e: {  	[tilespmem:v1+s2+$0x0] =	vst.idx.add.f32.msk vm8, v0  }
0x1f: {  	[tilespmem:v1+s2+$0x0] =	vst.idx.add.f32.msk vm9, v0  }
0x20: {  	[tilespmem:v1+s2+$0x0] =	vst.idx.add.f32.msk vm10, v0  }
0x21: {  	[tilespmem:v1+s2+$0x0] =	vst.idx.add.f32.msk vm11, v0  }
0x22: {  	[tilespmem:v1+s2+$0x0] =	vst.idx.add.f32.msk vm12, v0  }
0x23: {  	s13 =	simm.s32 $0x80;
	s12 =	simm.s32 $0x40;
	[tilespmem:v1+s2+$0x0] =	vst.idx.add.f32.msk vm13, v0  }
.LBB2_2:
0x24: {  	p0 =	sne.s32 s13, $0x1FC0  }
0x25: {  	s14 =	sshra.s32 s12, $0x2;
	[tilespmem:v1+s2+$0x0] =	vst.idx.add.f32.msk vm14, v0;
	s12 =	smov.u32 s13;
	s13 =	sadd.s32 $0x40, s13  }
0x26: {  	v1 =	vld [tilespmem:s14+$0x1000];
	_ =	sdelay $0x7  }
0x27: {  	[tilespmem:v1+s2+$0x0] =	vst.idx.add.f32.msk $0x1, v0  }
0x28: {  	[tilespmem:v1+s2+$0x0] =	vst.idx.add.f32.msk vm0, v0  }
0x29: {  	[tilespmem:v1+s2+$0x0] =	vst.idx.add.f32.msk vm1, v0  }
0x2a: {  	[tilespmem:v1+s2+$0x0] =	vst.idx.add.f32.msk vm2, v0  }
0x2b: {  	[tilespmem:v1+s2+$0x0] =	vst.idx.add.f32.msk vm3, v0  }
0x2c: {  	[tilespmem:v1+s2+$0x0] =	vst.idx.add.f32.msk vm4, v0  }
0x2d: {  	[tilespmem:v1+s2+$0x0] =	vst.idx.add.f32.msk vm5, v0  }
0x2e: {  	[tilespmem:v1+s2+$0x0] =	vst.idx.add.f32.msk vm6, v0  }
0x2f: {  	[tilespmem:v1+s2+$0x0] =	vst.idx.add.f32.msk vm7, v0  }
0x30: {  	[tilespmem:v1+s2+$0x0] =	vst.idx.add.f32.msk vm8, v0  }
.Ltmp0:
0x31: {  	[tilespmem:v1+s2+$0x0] =	vst.idx.add.f32.msk vm9, v0;
	(pc) =	sbr.rel @p0 .LBB2_2-.Ltmp0, $4  }
0x32: {  	[tilespmem:v1+s2+$0x0] =	vst.idx.add.f32.msk vm10, v0  }
0x33: {  	[tilespmem:v1+s2+$0x0] =	vst.idx.add.f32.msk vm11, v0  }
0x34: {  	[tilespmem:v1+s2+$0x0] =	vst.idx.add.f32.msk vm12, v0  }
0x35: {  	[tilespmem:v1+s2+$0x0] =	vst.idx.add.f32.msk vm13, v0  }
0x36: {  	_ =	sdelay $0x4  }
0x37: {  	s12 =	sshra.s32 s12, $0x2;
	[tilespmem:v1+s2+$0x0] =	vst.idx.add.f32.msk vm14, v0  }
0x38: {  	v1 =	vld [tilespmem:s12+$0x1000];
	_ =	sdelay $0x7  }
0x39: {  	[tilespmem:v1+s2+$0x0] =	vst.idx.add.f32.msk $0x1, v0  }
0x3a: {  	[tilespmem:v1+s2+$0x0] =	vst.idx.add.f32.msk vm0, v0  }
0x3b: {  	[tilespmem:v1+s2+$0x0] =	vst.idx.add.f32.msk vm1, v0  }
0x3c: {  	[tilespmem:v1+s2+$0x0] =	vst.idx.add.f32.msk vm2, v0  }
0x3d: {  	[tilespmem:v1+s2+$0x0] =	vst.idx.add.f32.msk vm3, v0  }
0x3e: {  	[tilespmem:v1+s2+$0x0] =	vst.idx.add.f32.msk vm4, v0  }
0x3f: {  	[tilespmem:v1+s2+$0x0] =	vst.idx.add.f32.msk vm5, v0  }
0x40: {  	[tilespmem:v1+s2+$0x0] =	vst.idx.add.f32.msk vm6, v0  }
0x41: {  	[tilespmem:v1+s2+$0x0] =	vst.idx.add.f32.msk vm7, v0  }
0x42: {  	[tilespmem:v1+s2+$0x0] =	vst.idx.add.f32.msk vm8, v0  }
0x43: {  	[tilespmem:v1+s2+$0x0] =	vst.idx.add.f32.msk vm9, v0  }
0x44: {  	[tilespmem:v1+s2+$0x0] =	vst.idx.add.f32.msk vm10, v0  }
0x45: {  	[tilespmem:v1+s2+$0x0] =	vst.idx.add.f32.msk vm11, v0  }
0x46: {  	s11 =	sadd.s32 $0x1, s11;
	[tilespmem:v1+s2+$0x0] =	vst.idx.add.f32.msk vm12, v0  }
0x47: {  	p0 =	sne.s32 s11, s6;
	[tilespmem:v1+s2+$0x0] =	vst.idx.add.f32.msk vm13, v0  }
.Ltmp1:
0x48: {  	[tilespmem:v1+s2+$0x0] =	vst.idx.add.f32.msk vm14, v0;
	(pc) =	sbr.rel @p0 .LBB2_1-.Ltmp1, $4  }
0x49: {  	[hbm4b:s5+s9] =	stream.strided.scatter [tilespmem:s2], [sflag:$0x1], $0x1000, s10, s9, $0x38;
	[tilespmem:$0x1800] =	vst v63  }
0x4a: {  	_ =	swait.ge [sflag:s7], $0x1000  }
0x4b: {  	[sflag:s7] =	ssyncset.done $0x0  }
0x4c: {  	[sflag:s7] =	ssyncadd.s32 $0xFFFFF000  }
0x4d: {  	_ =	sfence.sel $0x180000  }
0x4e: {  	[bflag:$0x0] =	sbarrier.arrive $0xFFFF  }
0x4f: {  	p0 =	sne.s32 s1, $0x0;
	_ =	strace $0x90000047  }
0x50: {  	s0 =	sadd.s32 @!p0 $0x100000, s0;
	[bflag:$0x2] =	sbarrier.arrive $0xFFFF  }
0x51: {  	[sflag:s0] =	ssyncadd.tile.s32 @!p0 $0x1;
	_ =	shalt  }
.Lfunc_end2:
_tile_overlayer_lowered:
.L_overlay_start_2:
0x52: {  	(tag) =	ssettag $0x2  }
0x53: {  	s0 =	rddreg [dreg:$0x0];
	s2 =	stileid.u32  }
0x54: {  	s1 =	rddreg [dreg:$0x1];
	p0 =	sne.s32 s2, $0x0  }
0x55: {  	s3 =	rddreg [dreg:$0x2];
	[bflag:$0x3] =	sbarrier.arrive $0xFFFF;
	s2 =	simm.s32 @!p0 $0x1C01  }
0x56: {  	[timem:s3], [sflag:s2] =	dma.local @!p0 [hbm:s0], s1  }
0x57: {  	s0 =	simm.s32 @!p0 $0x1  }
0x58: {  	_ =	swait.ge @!p0 [sflag:s0], s1  }
0x59: {  	s1 =	ssub.s32 @!p0 $0x0, s1;
	[sflag:s0] =	ssyncset.done @!p0 $0x0  }
0x5a: {  	[sflag:s0] =	ssyncadd.s32 @!p0 s1  }
0x5b: {  	[bflag:$0x3] =	sbarrier.arrive $0xFFFF  }
0x5c: {  	_ =	shalt  }

</sc_bundles>
